<compile_context>
chip_gen: v7x
topology: tpu7x:2x2x1
jax: 0.10.2.dev20260603
libtpu: 0.0.44.dev20260713+nightly
codegen_flags: <defaults>
</compile_context>

<pallas_src>
import jax
import jax.numpy as jnp
from jax.experimental import pallas as pl
from jax.experimental.pallas import tpu as pltpu

ROI = 7
CLS_NUM = 2
NMS_T = 0.7
CT_T = 0.05
TOPK = 100
BLK = 256
BB = 25


def _nms_kernel(rows_ref, colsT_ref, keep_ref, supp_ref):
    npad = rows_ref.shape[1]
    nblk = npad // BLK
    iota_row = jax.lax.broadcasted_iota(jnp.int32, (1, BLK), 1)

    supp_ref[...] = jnp.zeros((1, npad), jnp.float32)

    def outer(b, _):
        base = b * BLK
        x1c = colsT_ref[pl.ds(base, BLK), 0:1]
        y1c = colsT_ref[pl.ds(base, BLK), 1:2]
        x2c = colsT_ref[pl.ds(base, BLK), 2:3]
        y2c = colsT_ref[pl.ds(base, BLK), 3:4]
        clsc = colsT_ref[pl.ds(base, BLK), 4:5]
        areac = (x2c - x1c) * (y2c - y1c)

        x1r = rows_ref[0:1, pl.ds(base, BLK)]
        y1r = rows_ref[1:2, pl.ds(base, BLK)]
        x2r = rows_ref[2:3, pl.ds(base, BLK)]
        y2r = rows_ref[3:4, pl.ds(base, BLK)]
        clsb = rows_ref[4:5, pl.ds(base, BLK)]
        arear = (x2r - x1r) * (y2r - y1r)

        xx1 = jnp.maximum(x1c, x1r)
        yy1 = jnp.maximum(y1c, y1r)
        xx2 = jnp.minimum(x2c, x2r)
        yy2 = jnp.minimum(y2c, y2r)
        inter = jnp.clip(xx2 - xx1, 0.0) * jnp.clip(yy2 - yy1, 0.0)
        iou = inter / (areac + arear - inter + 1e-9)

        ii = jax.lax.broadcasted_iota(jnp.int32, (BLK, BLK), 0)
        jj = jax.lax.broadcasted_iota(jnp.int32, (BLK, BLK), 1)
        C = ((iou > NMS_T) & (clsc == clsb) & (jj > ii)).astype(jnp.float32)
        valid = 1.0 - supp_ref[0:1, pl.ds(base, BLK)]

        def fp_cond(c):
            K, Kprev, it = c
            return (it < BLK + 2) & jnp.any(K != Kprev)

        def fp_body(c):
            K, _, it = c
            hit = jnp.dot(K, C, preferred_element_type=jnp.float32)
            Knew = jnp.where(hit > 0.5, 0.0, valid)
            return (Knew, K, it + 1)

        keep_row, _, _ = jax.lax.while_loop(
            fp_cond, fp_body, (valid, valid - 1.0, 0))
        supp_ref[0:1, pl.ds(base, BLK)] = 1.0 - keep_row

        def cross(cb, _c):
            cbase = cb * BLK
            X1 = rows_ref[0:1, pl.ds(cbase, BLK)]
            Y1 = rows_ref[1:2, pl.ds(cbase, BLK)]
            X2 = rows_ref[2:3, pl.ds(cbase, BLK)]
            Y2 = rows_ref[3:4, pl.ds(cbase, BLK)]
            CLS = rows_ref[4:5, pl.ds(cbase, BLK)]
            AREA = (X2 - X1) * (Y2 - Y1)
            cx1 = jnp.maximum(x1c, X1)
            cy1 = jnp.maximum(y1c, Y1)
            cx2 = jnp.minimum(x2c, X2)
            cy2 = jnp.minimum(y2c, Y2)
            cint = jnp.clip(cx2 - cx1, 0.0) * jnp.clip(cy2 - cy1, 0.0)
            ciou = cint / (areac + AREA - cint + 1e-9)
            ig = base + jax.lax.broadcasted_iota(jnp.int32, (BLK, BLK), 0)
            jg = cbase + jax.lax.broadcasted_iota(jnp.int32, (BLK, BLK), 1)
            condf = ((ciou > NMS_T) & (clsc == CLS) & (jg > ig)).astype(jnp.float32)
            add = jnp.dot(keep_row, condf, preferred_element_type=jnp.float32)
            old = supp_ref[0:1, pl.ds(cbase, BLK)]
            supp_ref[0:1, pl.ds(cbase, BLK)] = jnp.maximum(old, jnp.minimum(add, 1.0))
            return _c

        jax.lax.fori_loop(b, nblk, cross, 0)
        return _

    jax.lax.fori_loop(0, nblk, outer, 0)

    score = rows_ref[5:6, :]
    keep_ref[...] = ((supp_ref[...] < 0.5) & (score > CT_T)).astype(jnp.float32)


def _interp_mats(bx, n_lane):
    x1 = bx[:, 0:1]
    y1 = bx[:, 1:2]
    x2 = bx[:, 2:3]
    y2 = bx[:, 3:4]
    bw = (x2 - x1) / ROI
    bh = (y2 - y1) / ROI
    qi = jax.lax.broadcasted_iota(jnp.int32, (BB, ROI), 1).astype(jnp.float32)
    xs = x1 + (qi + 0.5) * bw
    ys = y1 + (qi + 0.5) * bh

    def mat(g):
        g0 = jnp.floor(g)
        d = g - g0
        i0 = jnp.clip(g0.astype(jnp.int32), 0, n_lane - 1)
        i1 = jnp.clip(i0 + 1, 0, n_lane - 1)
        lane = jax.lax.broadcasted_iota(jnp.int32, (BB, ROI, n_lane), 2)
        w = jnp.where(lane == i0[..., None], (1.0 - d)[..., None], 0.0)
        w = w + jnp.where(lane == i1[..., None], d[..., None], 0.0)
        return w

    return mat(ys), mat(xs)


def _conv3x3(x, w_ref, b_ref, cin, cout):
    zr = jnp.zeros((BB, 1, ROI, cin), jnp.float32)
    xp = jnp.concatenate([zr, x, zr], axis=1)
    zc = jnp.zeros((BB, ROI + 2, 1, cin), jnp.float32)
    xp = jnp.concatenate([zc, xp, zc], axis=2)
    acc = None
    for ki in range(3):
        for kj in range(3):
            patch = xp[:, ki:ki + ROI, kj:kj + ROI, :].reshape(BB * ROI * ROI, cin)
            term = jnp.dot(patch, w_ref[ki, kj], preferred_element_type=jnp.float32)
            acc = term if acc is None else acc + term
    y = jnp.maximum(acc + b_ref[...], 0.0)
    return y.reshape(BB, ROI, ROI, cout)


def _head_kernel(boxes_ref, featT_ref,
                 wf1_ref, bf1_ref, wf2_ref, bf2_ref, wf3_ref, bf3_ref,
                 wf4_ref, bf4_ref, wdh_ref, bdh_ref, whm_ref, bhm_ref,
                 wdw_ref, bdw_ref, wwh_ref, bwh_ref,
                 hm_ref, wh_ref):
    bx = boxes_ref[0]
    Wy, Wx = _interp_mats(bx, 128)
    tmp = jnp.dot(Wy.reshape(BB * ROI, 128), featT_ref[...],
                  preferred_element_type=jnp.float32)
    tmp = tmp.reshape(BB, ROI * 64, 128)
    out = jax.lax.dot_general(tmp, Wx, (((2,), (2,)), ((0,), (0,))),
                              preferred_element_type=jnp.float32)
    roi = out.reshape(BB, ROI, 64, ROI).transpose(0, 1, 3, 2)

    x = _conv3x3(roi, wf1_ref, bf1_ref, 64, 256)
    x = _conv3x3(x, wf2_ref, bf2_ref, 256, 256)
    x = _conv3x3(x, wf3_ref, bf3_ref, 256, 256)
    x = _conv3x3(x, wf4_ref, bf4_ref, 256, 256)
    xf = x.reshape(BB * ROI * ROI, 256)

    for di in range(2):
        for dj in range(2):
            t = di * 2 + dj
            h = jnp.dot(xf, wdh_ref[di, dj], preferred_element_type=jnp.float32)
            h = h + bdh_ref[...]
            hm = jnp.dot(h, whm_ref[...], preferred_element_type=jnp.float32)
            hm = hm + bhm_ref[0, 0]
            hm_ref[:, t] = hm.reshape(BB, ROI, ROI)
            w_ = jnp.dot(xf, wdw_ref[di, dj], preferred_element_type=jnp.float32)
            w_ = w_ + bdw_ref[...]
            wh = jnp.dot(w_, wwh_ref[...], preferred_element_type=jnp.float32)
            wh = wh + bwh_ref[...]
            wh_ref[:, t] = wh.reshape(BB, ROI, ROI, 2)


def kernel(detection, cnn_feature, Wf1, bf1, Wf2, bf2, Wf3, bf3, Wf4, bf4,
           Wdh, bdh, Whm, bhm, Wdw, bdw, Wwh, bwh):
    det = detection[0]
    n = det.shape[0]
    npad = ((n + BLK - 1) // BLK) * BLK
    scores = det[:, 4]

    order = jnp.argsort(-scores)
    dets_s = det[order]

    rows = jnp.zeros((8, npad), jnp.float32)
    rows = rows.at[0:4, :n].set(dets_s[:, 0:4].T)
    rows = rows.at[4, :n].set(dets_s[:, 5])
    rows = rows.at[4, n:].set(-1.0)
    rows = rows.at[5, :n].set(dets_s[:, 4])
    rows = rows.at[5, n:].set(-1e9)
    colsT = rows.T

    keep_s = pl.pallas_call(
        _nms_kernel,
        out_shape=jax.ShapeDtypeStruct((1, npad), jnp.float32),
        scratch_shapes=[pltpu.VMEM((1, npad), jnp.float32)],
    )(rows, colsT)

    keep_sorted = keep_s[0, :n] > 0.5
    keep = jnp.zeros((n,), bool).at[order].set(keep_sorted)
    sel = jnp.where(keep, scores, -1e9)
    _, top_idx = jax.lax.top_k(sel, TOPK)
    det_sel = det[top_idx]

    feat = cnn_feature[0]
    featT = feat.transpose(1, 0, 2).reshape(128, 64 * 128)
    boxes3 = det_sel[:, :4].reshape(TOPK // BB, BB, 4)

    wf1 = Wf1.transpose(2, 3, 1, 0)
    wf2 = Wf2.transpose(2, 3, 1, 0)
    wf3 = Wf3.transpose(2, 3, 1, 0)
    wf4 = Wf4.transpose(2, 3, 1, 0)
    wdh = jnp.flip(Wdh.transpose(2, 3, 1, 0), axis=(0, 1))
    wdw = jnp.flip(Wdw.transpose(2, 3, 1, 0), axis=(0, 1))
    whm = Whm[:, :, 0, 0].T
    wwh = Wwh[:, :, 0, 0].T

    full = lambda shp: pl.BlockSpec(shp, lambda i: (0,) * len(shp))
    nblk = TOPK // BB
    hm4, wh4 = pl.pallas_call(
        _head_kernel,
        grid=(nblk,),
        in_specs=[
            pl.BlockSpec((1, BB, 4), lambda i: (i, 0, 0)),
            full((128, 64 * 128)),
            full((3, 3, 64, 256)), full((1, 256)),
            full((3, 3, 256, 256)), full((1, 256)),
            full((3, 3, 256, 256)), full((1, 256)),
            full((3, 3, 256, 256)), full((1, 256)),
            full((2, 2, 256, 256)), full((1, 256)),
            full((256, 1)), full((1, 1)),
            full((2, 2, 256, 256)), full((1, 256)),
            full((256, 2)), full((1, 2)),
        ],
        out_specs=[
            pl.BlockSpec((BB, 4, ROI, ROI), lambda i: (i, 0, 0, 0)),
            pl.BlockSpec((BB, 4, ROI, ROI, 2), lambda i: (i, 0, 0, 0, 0)),
        ],
        out_shape=[
            jax.ShapeDtypeStruct((TOPK, 4, ROI, ROI), jnp.float32),
            jax.ShapeDtypeStruct((TOPK, 4, ROI, ROI, 2), jnp.float32),
        ],
    )(boxes3, featT,
      wf1, bf1.reshape(1, 256), wf2, bf2.reshape(1, 256),
      wf3, bf3.reshape(1, 256), wf4, bf4.reshape(1, 256),
      wdh, bdh.reshape(1, 256), whm, bhm.reshape(1, 1),
      wdw, bdw.reshape(1, 256), wwh, bwh.reshape(1, 2))

    hm = hm4.reshape(TOPK, 2, 2, ROI, ROI).transpose(0, 3, 1, 4, 2)
    cp_hm = hm.reshape(TOPK, 2 * ROI, 2 * ROI)[:, None, :, :]
    wh = wh4.reshape(TOPK, 2, 2, ROI, ROI, 2).transpose(0, 5, 3, 1, 4, 2)
    cp_wh = wh.reshape(TOPK, 2, 2 * ROI, 2 * ROI)
    return (det_sel, cp_hm, cp_wh)

# --- scband reference (transcript-rebuilt; emitter-appended) ---
"""Pipeline reference for scband-component-detection-51719996178879 (READ-ONLY COPY).

The authoritative reference and input builder live on the scoring server;
editing this copy changes nothing except your own understanding.
"""

import jax, jax.numpy as jnp
import numpy as np

ROI_H = 7
ROI_W = 7
CLS_NUM = 2
NMS_THRESH = 0.7
CT_SCORE = 0.05
TOPK = 100
N_DET = 5000
FEAT_HW = 128


def setup_inputs(seed: int = 0) -> dict:
    key = jax.random.key(seed)
    ks = jax.random.split(key, 20)
    r = jax.random.uniform(ks[0], (1, N_DET, 6), dtype=jnp.float32)
    x1 = r[..., 0] * (FEAT_HW - 10.0)
    y1 = r[..., 1] * (FEAT_HW - 10.0)
    x2 = x1 + 1.0 + r[..., 2] * 9.0
    y2 = y1 + 1.0 + r[..., 3] * 9.0
    score = r[..., 4]
    cls = jnp.floor(r[..., 5] * CLS_NUM)
    detection = jnp.stack([x1, y1, x2, y2, score, cls], axis=-1)
    cnn_feature = jax.random.normal(ks[1], (1, 64, FEAT_HW, FEAT_HW), dtype=jnp.float32)
    s = 0.05
    inp = {'detection': detection, 'cnn_feature': cnn_feature}
    inp['Wf1'] = jax.random.normal(ks[2], (256, 64, 3, 3), dtype=jnp.float32) * s
    inp['bf1'] = jnp.zeros((256,), jnp.float32)
    inp['Wf2'] = jax.random.normal(ks[3], (256, 256, 3, 3), dtype=jnp.float32) * s
    inp['bf2'] = jnp.zeros((256,), jnp.float32)
    inp['Wf3'] = jax.random.normal(ks[4], (256, 256, 3, 3), dtype=jnp.float32) * s
    inp['bf3'] = jnp.zeros((256,), jnp.float32)
    inp['Wf4'] = jax.random.normal(ks[5], (256, 256, 3, 3), dtype=jnp.float32) * s
    inp['bf4'] = jnp.zeros((256,), jnp.float32)
    inp['Wdh'] = jax.random.normal(ks[6], (256, 256, 2, 2), dtype=jnp.float32) * s
    inp['bdh'] = jnp.zeros((256,), jnp.float32)
    inp['Whm'] = jax.random.normal(ks[7], (1, 256, 1, 1), dtype=jnp.float32) * s
    inp['bhm'] = jnp.full((1,), -2.19, jnp.float32)
    inp['Wdw'] = jax.random.normal(ks[8], (256, 256, 2, 2), dtype=jnp.float32) * s
    inp['bdw'] = jnp.zeros((256,), jnp.float32)
    inp['Wwh'] = jax.random.normal(ks[9], (2, 256, 1, 1), dtype=jnp.float32) * s
    inp['bwh'] = jnp.zeros((2,), jnp.float32)
    return inp


def conv2d(x, w, b):
    y = jax.lax.conv_general_dilated(x, w, (1, 1), 'SAME', dimension_numbers=('NCHW', 'OIHW', 'NCHW'))
    return y + b[None, :, None, None]


def deconv2(x, w, b):
    y = jax.lax.conv_transpose(x, w, (2, 2), 'VALID', dimension_numbers=('NCHW', 'OIHW', 'NCHW'))
    return y + b[None, :, None, None]


def iou_matrix(b):
    x1, y1, x2, y2 = b[:, 0], b[:, 1], b[:, 2], b[:, 3]
    area = (x2 - x1) * (y2 - y1)
    xx1 = jnp.maximum(x1[:, None], x1[None, :])
    yy1 = jnp.maximum(y1[:, None], y1[None, :])
    xx2 = jnp.minimum(x2[:, None], x2[None, :])
    yy2 = jnp.minimum(y2[:, None], y2[None, :])
    inter = jnp.clip(xx2 - xx1, 0.0) * jnp.clip(yy2 - yy1, 0.0)
    return inter / (area[:, None] + area[None, :] - inter + 1e-9)


def nms_keep(boxes, scores, thresh):
    boxes = jax.lax.stop_gradient(boxes)
    scores = jax.lax.stop_gradient(scores)
    n = boxes.shape[0]
    order = jnp.argsort(-scores)
    bs = boxes[order]
    iou = iou_matrix(bs)
    idx = jnp.arange(n)

    def body(i, supp):
        keep_i = jnp.logical_not(supp[i])
        return jnp.logical_or(supp, jnp.logical_and(jnp.logical_and(keep_i, iou[i] > thresh), idx > i))

    supp = jax.lax.fori_loop(0, n, body, jnp.zeros((n,), bool))
    keep_sorted = jnp.logical_not(supp)
    return jnp.zeros((n,), bool).at[order].set(keep_sorted)


def roi_align(feat, boxes):
    C, H, W = feat.shape

    def one(box):
        x1, y1, x2, y2 = box[0], box[1], box[2], box[3]
        bw = (x2 - x1) / ROI_W
        bh = (y2 - y1) / ROI_H
        xs = x1 + (jnp.arange(ROI_W) + 0.5) * bw
        ys = y1 + (jnp.arange(ROI_H) + 0.5) * bh
        gx, gy = jnp.meshgrid(xs, ys)
        x0 = jnp.floor(gx)
        y0 = jnp.floor(gy)
        dx = gx - x0
        dy = gy - y0
        x0i = jnp.clip(x0.astype(jnp.int32), 0, W - 1)
        x1i = jnp.clip(x0i + 1, 0, W - 1)
        y0i = jnp.clip(y0.astype(jnp.int32), 0, H - 1)
        y1i = jnp.clip(y0i + 1, 0, H - 1)
        f00 = feat[:, y0i, x0i]
        f01 = feat[:, y0i, x1i]
        f10 = feat[:, y1i, x0i]
        f11 = feat[:, y1i, x1i]
        return f00 * (1 - dx) * (1 - dy) + f01 * dx * (1 - dy) + f10 * (1 - dx) * dy + f11 * dx * dy

    return jax.vmap(one)(boxes)


def reference(detection, cnn_feature, Wf1, bf1, Wf2, bf2, Wf3, bf3, Wf4, bf4, Wdh, bdh, Whm, bhm, Wdw, bdw, Wwh, bwh):
    det = detection[0]
    boxes = det[:, :4]
    scores = det[:, 4]
    cls = det[:, 5]
    keep = jnp.zeros((det.shape[0],), bool)
    for j in range(CLS_NUM):
        valid = cls == j
        sj = jnp.where(valid, scores, -1e9)
        kj = nms_keep(boxes, sj, NMS_THRESH)
        keep = jnp.logical_or(keep, jnp.logical_and(jnp.logical_and(kj, valid), scores > CT_SCORE))
    sel = jnp.where(keep, jax.lax.stop_gradient(scores), -1e9)
    _, top_idx = jax.lax.top_k(sel, TOPK)
    det_sel = det[top_idx]
    roi = roi_align(cnn_feature[0], det_sel[:, :4])
    x = jax.nn.relu(conv2d(roi, Wf1, bf1))
    x = jax.nn.relu(conv2d(x, Wf2, bf2))
    x = jax.nn.relu(conv2d(x, Wf3, bf3))
    x = jax.nn.relu(conv2d(x, Wf4, bf4))
    cp_hm = conv2d(deconv2(x, Wdh, bdh), Whm, bhm)
    cp_wh = conv2d(deconv2(x, Wdw, bdw), Wwh, bwh)
    return (det_sel, cp_hm, cp_wh)

if __name__ == "__main__":
    import jax
    _d = setup_inputs()
    print(jax.jit(kernel)(*tuple(_d.values())))

</pallas_src>

<mosaic_0001>
module attributes {stable_mosaic.version = 14 : i64} {
  func.func @_nms_kernel(%arg0: memref<8x5120xf32, #tpu.memory_space<vmem>>, %arg1: memref<5120x8xf32, #tpu.memory_space<vmem>>, %arg2: memref<1x5120xf32, #tpu.memory_space<vmem>>, %arg3: memref<1x5120xf32, #tpu.memory_space<vmem>>) attributes {dimension_semantics = [], scalar_prefetch = 0 : i64, scratch_operands = 1 : i64, tpu.core_type = #tpu.core_type<tc>} {
    %broadcast_in_dim3A = arith.constant 0.000000e+00 : f32
    %broadcast_in_dim3A_0 = vector.broadcast %broadcast_in_dim3A : f32 to vector<1x5120xf32>
    %swap3A = arith.constant 0 : index
    %swap3A_1 = arith.constant 0 : index
    %swap3A_2 = vector.load %arg3[%swap3A, %swap3A_1] : memref<1x5120xf32, #tpu.memory_space<vmem>>, vector<1x5120xf32>
    tpu.vector_store %arg3[%swap3A, %swap3A_1], %broadcast_in_dim3A_0 {strides = array<i32>} : memref<1x5120xf32, #tpu.memory_space<vmem>>, vector<1x5120xf32>,
    %scan3A = arith.constant 0 : i32
    %scan3A_3 = arith.constant 20 : i32
    %scan3A_4 = arith.addi %scan3A, %scan3A_3 : i32
    %scan3A_5 = arith.constant 1 : i32
    scf.for %scan3A_20 = %scan3A to %scan3A_4 step %scan3A_5  : i32 {
      %mul3A = arith.constant 256 : i32
      %mul3A_21 = arith.muli %scan3A_20, %mul3A : i32
      %get3A_22 = arith.index_cast %mul3A_21 : i32 to index
      %get3A_23 = arith.constant 0 : index
      %get3A_24 = vector.load %arg1[%get3A_22, %get3A_23] : memref<5120x8xf32, #tpu.memory_space<vmem>>, vector<256x1xf32>
      %get3A_25 = arith.index_cast %mul3A_21 : i32 to index
      %get3A_26 = arith.constant 1 : index
      %get3A_27 = vector.load %arg1[%get3A_25, %get3A_26] : memref<5120x8xf32, #tpu.memory_space<vmem>>, vector<256x1xf32>
      %get3A_28 = arith.index_cast %mul3A_21 : i32 to index
      %get3A_29 = arith.constant 2 : index
      %get3A_30 = vector.load %arg1[%get3A_28, %get3A_29] : memref<5120x8xf32, #tpu.memory_space<vmem>>, vector<256x1xf32>
      %get3A_31 = arith.index_cast %mul3A_21 : i32 to index
      %get3A_32 = arith.constant 3 : index
      %get3A_33 = vector.load %arg1[%get3A_31, %get3A_32] : memref<5120x8xf32, #tpu.memory_space<vmem>>, vector<256x1xf32>
      %get3A_34 = arith.index_cast %mul3A_21 : i32 to index
      %get3A_35 = arith.constant 4 : index
      %get3A_36 = vector.load %arg1[%get3A_34, %get3A_35] : memref<5120x8xf32, #tpu.memory_space<vmem>>, vector<256x1xf32>
      %sub3A = arith.subf %get3A_30, %get3A_24 : vector<256x1xf32>
      %sub3A_37 = arith.subf %get3A_33, %get3A_27 : vector<256x1xf32>
      %mul3A_38 = arith.mulf %sub3A, %sub3A_37 : vector<256x1xf32>
      %get3A_39 = arith.constant 0 : index
      %get3A_40 = arith.index_cast %mul3A_21 : i32 to index
      %get3A_41 = vector.load %arg0[%get3A_39, %get3A_40] : memref<8x5120xf32, #tpu.memory_space<vmem>>, vector<1x256xf32>
      %get3A_42 = arith.constant 1 : index
      %get3A_43 = arith.index_cast %mul3A_21 : i32 to index
      %get3A_44 = vector.load %arg0[%get3A_42, %get3A_43] : memref<8x5120xf32, #tpu.memory_space<vmem>>, vector<1x256xf32>
      %get3A_45 = arith.constant 2 : index
      %get3A_46 = arith.index_cast %mul3A_21 : i32 to index
      %get3A_47 = vector.load %arg0[%get3A_45, %get3A_46] : memref<8x5120xf32, #tpu.memory_space<vmem>>, vector<1x256xf32>
      %get3A_48 = arith.constant 3 : index
      %get3A_49 = arith.index_cast %mul3A_21 : i32 to index
      %get3A_50 = vector.load %arg0[%get3A_48, %get3A_49] : memref<8x5120xf32, #tpu.memory_space<vmem>>, vector<1x256xf32>
      %get3A_51 = arith.constant 4 : index
      %get3A_52 = arith.index_cast %mul3A_21 : i32 to index
      %get3A_53 = vector.load %arg0[%get3A_51, %get3A_52] : memref<8x5120xf32, #tpu.memory_space<vmem>>, vector<1x256xf32>
      %sub3A_54 = arith.subf %get3A_47, %get3A_41 : vector<1x256xf32>
      %sub3A_55 = arith.subf %get3A_50, %get3A_44 : vector<1x256xf32>
      %mul3A_56 = arith.mulf %sub3A_54, %sub3A_55 : vector<1x256xf32>
      %max3A = vector.broadcast %get3A_24 : vector<256x1xf32> to vector<256x256xf32>
      %max3A_57 = vector.broadcast %get3A_41 : vector<1x256xf32> to vector<256x256xf32>
      %max3A_58 = arith.maximumf %max3A, %max3A_57 : vector<256x256xf32>
      %max3A_59 = vector.broadcast %get3A_27 : vector<256x1xf32> to vector<256x256xf32>
      %max3A_60 = vector.broadcast %get3A_44 : vector<1x256xf32> to vector<256x256xf32>
      %max3A_61 = arith.maximumf %max3A_59, %max3A_60 : vector<256x256xf32>
      %min3A = vector.broadcast %get3A_30 : vector<256x1xf32> to vector<256x256xf32>
      %min3A_62 = vector.broadcast %get3A_47 : vector<1x256xf32> to vector<256x256xf32>
      %min3A_63 = arith.minimumf %min3A, %min3A_62 : vector<256x256xf32>
      %min3A_64 = vector.broadcast %get3A_33 : vector<256x1xf32> to vector<256x256xf32>
      %min3A_65 = vector.broadcast %get3A_50 : vector<1x256xf32> to vector<256x256xf32>
      %min3A_66 = arith.minimumf %min3A_64, %min3A_65 : vector<256x256xf32>
      %sub3A_67 = arith.subf %min3A_63, %max3A_58 : vector<256x256xf32>
      %jit3A = arith.constant 0.000000e+00 : f32
      %max3A_68 = vector.broadcast %jit3A : f32 to vector<256x256xf32>
      %max3A_69 = arith.maximumf %max3A_68, %sub3A_67 : vector<256x256xf32>
      %sub3A_70 = arith.subf %min3A_66, %max3A_61 : vector<256x256xf32>
      %jit3A_71 = arith.constant 0.000000e+00 : f32
      %max3A_72 = vector.broadcast %jit3A_71 : f32 to vector<256x256xf32>
      %max3A_73 = arith.maximumf %max3A_72, %sub3A_70 : vector<256x256xf32>
      %mul3A_74 = arith.mulf %max3A_69, %max3A_73 : vector<256x256xf32>
      %add3A = vector.broadcast %mul3A_38 : vector<256x1xf32> to vector<256x256xf32>
      %add3A_75 = vector.broadcast %mul3A_56 : vector<1x256xf32> to vector<256x256xf32>
      %add3A_76 = arith.addf %add3A, %add3A_75 : vector<256x256xf32>
      %sub3A_77 = arith.subf %add3A_76, %mul3A_74 : vector<256x256xf32>
      %add3A_78 = arith.constant 9.99999971E-10 : f32
      %add3A_79 = vector.broadcast %add3A_78 : f32 to vector<256x256xf32>
      %add3A_80 = arith.addf %sub3A_77, %add3A_79 : vector<256x256xf32>
      %div3A = arith.divf %mul3A_74, %add3A_80 : vector<256x256xf32>
      %iota3A = tpu.iota {dimensions = array<i32: 0>} : vector<256x256xi32>
      %iota3A_81 = tpu.iota {dimensions = array<i32: 1>} : vector<256x256xi32>
      %gt3A_82 = arith.constant 0.699999988 : f32
      %gt3A_83 = vector.broadcast %gt3A_82 : f32 to vector<256x256xf32>
      %gt3A_84 = arith.cmpf ogt, %div3A, %gt3A_83 : vector<256x256xf32>
      %eq3A = vector.broadcast %get3A_36 : vector<256x1xf32> to vector<256x256xf32>
      %eq3A_85 = vector.broadcast %get3A_53 : vector<1x256xf32> to vector<256x256xf32>
      %eq3A_86 = arith.cmpf oeq, %eq3A, %eq3A_85 : vector<256x256xf32>
      %and3A_87 = arith.andi %gt3A_84, %eq3A_86 : vector<256x256xi1>
      %gt3A_88 = arith.cmpi sgt, %iota3A_81, %iota3A : vector<256x256xi32>
      %and3A_89 = arith.andi %and3A_87, %gt3A_88 : vector<256x256xi1>
      %convert_element_type3A_90 = arith.extui %and3A_89 : vector<256x256xi1> to vector<256x256xi32>
      %convert_element_type3A_91 = arith.sitofp %convert_element_type3A_90 : vector<256x256xi32> to vector<256x256xf32>
      %get3A_92 = arith.constant 0 : index
      %get3A_93 = arith.index_cast %mul3A_21 : i32 to index
      %get3A_94 = vector.load %arg3[%get3A_92, %get3A_93] : memref<1x5120xf32, #tpu.memory_space<vmem>>, vector<1x256xf32>
      %sub3A_95 = arith.constant 1.000000e+00 : f32
      %sub3A_96 = vector.broadcast %sub3A_95 : f32 to vector<1x256xf32>
      %sub3A_97 = arith.subf %sub3A_96, %get3A_94 : vector<1x256xf32>
      %sub3A_98 = arith.constant 1.000000e+00 : f32
      %sub3A_99 = vector.broadcast %sub3A_98 : f32 to vector<1x256xf32>
      %sub3A_100 = arith.subf %sub3A_97, %sub3A_99 : vector<1x256xf32>
      %while3A = arith.constant 0 : i32
      %while3A_101:3 = scf.while (%while3A_118 = %sub3A_97, %while3A_119 = %sub3A_100, %while3A_120 = %while3A) : (vector<1x256xf32>, vector<1x256xf32>, i32) -> (vector<1x256xf32>, vector<1x256xf32>, i32) {
        %lt3A_121 = arith.constant 258 : i32
        %lt3A_122 = arith.cmpi slt, %while3A_120, %lt3A_121 : i32
        %ne3A = arith.cmpf one, %while3A_118, %while3A_119 : vector<1x256xf32>
        %reduce_or3A = arith.constant 1.000000e+00 : f32
        %reduce_or3A_123 = arith.constant 0.000000e+00 : f32
        %reduce_or3A_124 = vector.broadcast %reduce_or3A : f32 to vector<1x256xf32>
        %reduce_or3A_125 = vector.broadcast %reduce_or3A_123 : f32 to vector<1x256xf32>
        %reduce_or3A_126 = arith.select %ne3A, %reduce_or3A_124, %reduce_or3A_125 : vector<1x256xi1>, vector<1x256xf32>
        %reduce_or3A_127 = vector.shape_cast %reduce_or3A_126 : vector<1x256xf32> to vector<1x1x256xf32>
        %reduce_or3A_128 = arith.constant dense<0xFF800000> : vector<1xf32>
        %reduce_or3A_129 = vector.multi_reduction <maximumf>, %reduce_or3A_127, %reduce_or3A_128 [1, 2] : vector<1x1x256xf32> to vector<1xf32>
        %reduce_or3A_130 = vector.shape_cast %reduce_or3A_129 : vector<1xf32> to vector<1x1x1xf32>
        %reduce_or3A_131 = vector.extract %reduce_or3A_130[0, 0, 0] : f32 from vector<1x1x1xf32>
        %reduce_or3A_132 = arith.constant 0.000000e+00 : f32
        %reduce_or3A_133 = arith.cmpf ogt, %reduce_or3A_131, %reduce_or3A_132 : f32
        %and3A_134 = arith.andi %lt3A_122, %reduce_or3A_133 : i1
        scf.condition(%and3A_134) %while3A_118, %while3A_119, %while3A_120 : vector<1x256xf32>, vector<1x256xf32>, i32
      } do {
      ^bb0(%while3A_118: vector<1x256xf32>, %while3A_119: vector<1x256xf32>, %while3A_120: i32):
        %dot_general3A = arith.constant dense<0.000000e+00> : vector<1x256xf32>
        %dot_general3A_121 = tpu.matmul %while3A_118, %convert_element_type3A_91, %dot_general3A {dimension_numbers = #tpu.dot_dimension_numbers<[1], [0], [0], [1], [0, 0, 1, 1], [], []>, transpose_lhs_hint = false} : vector<1x256xf32>, vector<256x256xf32>, vector<1x256xf32> -> vector<1x256xf32>
        %gt3A_122 = arith.constant 5.000000e-01 : f32
        %gt3A_123 = vector.broadcast %gt3A_122 : f32 to vector<1x256xf32>
        %gt3A_124 = arith.cmpf ogt, %dot_general3A_121, %gt3A_123 : vector<1x256xf32>
        %jit3A_125 = arith.constant 0.000000e+00 : f32
        %broadcast_in_dim3A_126 = vector.broadcast %jit3A_125 : f32 to vector<1x256xf32>
        %select_n3A = arith.select %gt3A_124, %broadcast_in_dim3A_126, %sub3A_97 : vector<1x256xi1>, vector<1x256xf32>
        %add3A_127 = arith.constant 1 : i32
        %add3A_128 = arith.addi %while3A_120, %add3A_127 : i32
        scf.yield %select_n3A, %while3A_118, %add3A_128 : vector<1x256xf32>, vector<1x256xf32>, i32
      }
      %sub3A_102 = arith.constant 1.000000e+00 : f32
      %sub3A_103 = vector.broadcast %sub3A_102 : f32 to vector<1x256xf32>
      %sub3A_104 = arith.subf %sub3A_103, %while3A_101#0 : vector<1x256xf32>
      %swap3A_105 = arith.constant 0 : index
      %swap3A_106 = arith.index_cast %mul3A_21 : i32 to index
      %swap3A_107 = vector.load %arg3[%swap3A_105, %swap3A_106] : memref<1x5120xf32, #tpu.memory_space<vmem>>, vector<1x256xf32>
      tpu.vector_store %arg3[%swap3A_105, %swap3A_106], %sub3A_104 {strides = array<i32>} : memref<1x5120xf32, #tpu.memory_space<vmem>>, vector<1x256xf32>,
      %while3A_108 = arith.constant 0 : i32
      %while3A_109 = arith.constant 20 : i32
      %while3A_110 = arith.subi %while3A_109, %scan3A_20 : i32
      %while3A_111 = arith.addi %scan3A_20, %while3A_110 : i32
      %while3A_112 = arith.constant 1 : i32
      %while3A_113 = arith.divsi %while3A_110, %while3A_112 : i32
      %while3A_114 = arith.muli %while3A_113, %while3A_112 : i32
      %while3A_115 = arith.addi %scan3A_20, %while3A_114 : i32
      %while3A_116 = arith.constant 1 : i32
      scf.for %while3A_118 = %scan3A_20 to %while3A_115 step %while3A_116  : i32 {
        %mul3A_119 = arith.constant 256 : i32
        %mul3A_120 = arith.muli %while3A_118, %mul3A_119 : i32
        %get3A_121 = arith.constant 0 : index
        %get3A_122 = arith.index_cast %mul3A_120 : i32 to index
        %get3A_123 = vector.load %arg0[%get3A_121, %get3A_122] : memref<8x5120xf32, #tpu.memory_space<vmem>>, vector<1x256xf32>
        %get3A_124 = arith.constant 1 : index
        %get3A_125 = arith.index_cast %mul3A_120 : i32 to index
        %get3A_126 = vector.load %arg0[%get3A_124, %get3A_125] : memref<8x5120xf32, #tpu.memory_space<vmem>>, vector<1x256xf32>
        %get3A_127 = arith.constant 2 : index
        %get3A_128 = arith.index_cast %mul3A_120 : i32 to index
        %get3A_129 = vector.load %arg0[%get3A_127, %get3A_128] : memref<8x5120xf32, #tpu.memory_space<vmem>>, vector<1x256xf32>
        %get3A_130 = arith.constant 3 : index
        %get3A_131 = arith.index_cast %mul3A_120 : i32 to index
        %get3A_132 = vector.load %arg0[%get3A_130, %get3A_131] : memref<8x5120xf32, #tpu.memory_space<vmem>>, vector<1x256xf32>
        %get3A_133 = arith.constant 4 : index
        %get3A_134 = arith.index_cast %mul3A_120 : i32 to index
        %get3A_135 = vector.load %arg0[%get3A_133, %get3A_134] : memref<8x5120xf32, #tpu.memory_space<vmem>>, vector<1x256xf32>
        %sub3A_136 = arith.subf %get3A_129, %get3A_123 : vector<1x256xf32>
        %sub3A_137 = arith.subf %get3A_132, %get3A_126 : vector<1x256xf32>
        %mul3A_138 = arith.mulf %sub3A_136, %sub3A_137 : vector<1x256xf32>
        %max3A_139 = vector.broadcast %get3A_24 : vector<256x1xf32> to vector<256x256xf32>
        %max3A_140 = vector.broadcast %get3A_123 : vector<1x256xf32> to vector<256x256xf32>
        %max3A_141 = arith.maximumf %max3A_139, %max3A_140 : vector<256x256xf32>
        %max3A_142 = vector.broadcast %get3A_27 : vector<256x1xf32> to vector<256x256xf32>
        %max3A_143 = vector.broadcast %get3A_126 : vector<1x256xf32> to vector<256x256xf32>
        %max3A_144 = arith.maximumf %max3A_142, %max3A_143 : vector<256x256xf32>
        %min3A_145 = vector.broadcast %get3A_30 : vector<256x1xf32> to vector<256x256xf32>
        %min3A_146 = vector.broadcast %get3A_129 : vector<1x256xf32> to vector<256x256xf32>
        %min3A_147 = arith.minimumf %min3A_145, %min3A_146 : vector<256x256xf32>
        %min3A_148 = vector.broadcast %get3A_33 : vector<256x1xf32> to vector<256x256xf32>
        %min3A_149 = vector.broadcast %get3A_132 : vector<1x256xf32> to vector<256x256xf32>
        %min3A_150 = arith.minimumf %min3A_148, %min3A_149 : vector<256x256xf32>
        %sub3A_151 = arith.subf %min3A_147, %max3A_141 : vector<256x256xf32>
        %jit3A_152 = arith.constant 0.000000e+00 : f32
        %max3A_153 = vector.broadcast %jit3A_152 : f32 to vector<256x256xf32>
        %max3A_154 = arith.maximumf %max3A_153, %sub3A_151 : vector<256x256xf32>
        %sub3A_155 = arith.subf %min3A_150, %max3A_144 : vector<256x256xf32>
        %jit3A_156 = arith.constant 0.000000e+00 : f32
        %max3A_157 = vector.broadcast %jit3A_156 : f32 to vector<256x256xf32>
        %max3A_158 = arith.maximumf %max3A_157, %sub3A_155 : vector<256x256xf32>
        %mul3A_159 = arith.mulf %max3A_154, %max3A_158 : vector<256x256xf32>
        %add3A_160 = vector.broadcast %mul3A_38 : vector<256x1xf32> to vector<256x256xf32>
        %add3A_161 = vector.broadcast %mul3A_138 : vector<1x256xf32> to vector<256x256xf32>
        %add3A_162 = arith.addf %add3A_160, %add3A_161 : vector<256x256xf32>
        %sub3A_163 = arith.subf %add3A_162, %mul3A_159 : vector<256x256xf32>
        %add3A_164 = arith.constant 9.99999971E-10 : f32
        %add3A_165 = vector.broadcast %add3A_164 : f32 to vector<256x256xf32>
        %add3A_166 = arith.addf %sub3A_163, %add3A_165 : vector<256x256xf32>
        %div3A_167 = arith.divf %mul3A_159, %add3A_166 : vector<256x256xf32>
        %iota3A_168 = tpu.iota {dimensions = array<i32: 0>} : vector<256x256xi32>
        %add3A_169 = vector.broadcast %mul3A_21 : i32 to vector<256x256xi32>
        %add3A_170 = arith.addi %add3A_169, %iota3A_168 : vector<256x256xi32>
        %iota3A_171 = tpu.iota {dimensions = array<i32: 1>} : vector<256x256xi32>
        %add3A_172 = vector.broadcast %mul3A_120 : i32 to vector<256x256xi32>
        %add3A_173 = arith.addi %add3A_172, %iota3A_171 : vector<256x256xi32>
        %gt3A_174 = arith.constant 0.699999988 : f32
        %gt3A_175 = vector.broadcast %gt3A_174 : f32 to vector<256x256xf32>
        %gt3A_176 = arith.cmpf ogt, %div3A_167, %gt3A_175 : vector<256x256xf32>
        %eq3A_177 = vector.broadcast %get3A_36 : vector<256x1xf32> to vector<256x256xf32>
        %eq3A_178 = vector.broadcast %get3A_135 : vector<1x256xf32> to vector<256x256xf32>
        %eq3A_179 = arith.cmpf oeq, %eq3A_177, %eq3A_178 : vector<256x256xf32>
        %and3A_180 = arith.andi %gt3A_176, %eq3A_179 : vector<256x256xi1>
        %gt3A_181 = arith.cmpi sgt, %add3A_173, %add3A_170 : vector<256x256xi32>
        %and3A_182 = arith.andi %and3A_180, %gt3A_181 : vector<256x256xi1>
        %convert_element_type3A_183 = arith.extui %and3A_182 : vector<256x256xi1> to vector<256x256xi32>
        %convert_element_type3A_184 = arith.sitofp %convert_element_type3A_183 : vector<256x256xi32> to vector<256x256xf32>
        %dot_general3A = arith.constant dense<0.000000e+00> : vector<1x256xf32>
        %dot_general3A_185 = tpu.matmul %while3A_101#0, %convert_element_type3A_184, %dot_general3A {dimension_numbers = #tpu.dot_dimension_numbers<[1], [0], [0], [1], [0, 0, 1, 1], [], []>, transpose_lhs_hint = false} : vector<1x256xf32>, vector<256x256xf32>, vector<1x256xf32> -> vector<1x256xf32>
        %get3A_186 = arith.constant 0 : index
        %get3A_187 = arith.index_cast %mul3A_120 : i32 to index
        %get3A_188 = vector.load %arg3[%get3A_186, %get3A_187] : memref<1x5120xf32, #tpu.memory_space<vmem>>, vector<1x256xf32>
        %min3A_189 = arith.constant 1.000000e+00 : f32
        %min3A_190 = vector.broadcast %min3A_189 : f32 to vector<1x256xf32>
        %min3A_191 = arith.minimumf %dot_general3A_185, %min3A_190 : vector<1x256xf32>
        %max3A_192 = arith.maximumf %get3A_188, %min3A_191 : vector<1x256xf32>
        %swap3A_193 = arith.constant 0 : index
        %swap3A_194 = arith.index_cast %mul3A_120 : i32 to index
        %swap3A_195 = vector.load %arg3[%swap3A_193, %swap3A_194] : memref<1x5120xf32, #tpu.memory_space<vmem>>, vector<1x256xf32>
        tpu.vector_store %arg3[%swap3A_193, %swap3A_194], %max3A_192 {strides = array<i32>} : memref<1x5120xf32, #tpu.memory_space<vmem>>, vector<1x256xf32>,
      }
      %while3A_117 = arith.constant 1 : i32
      scf.for %while3A_118 = %while3A_115 to %while3A_111 step %while3A_117  : i32 {
        %mul3A_119 = arith.constant 256 : i32
        %mul3A_120 = arith.muli %while3A_118, %mul3A_119 : i32
        %get3A_121 = arith.constant 0 : index
        %get3A_122 = arith.index_cast %mul3A_120 : i32 to index
        %get3A_123 = vector.load %arg0[%get3A_121, %get3A_122] : memref<8x5120xf32, #tpu.memory_space<vmem>>, vector<1x256xf32>
        %get3A_124 = arith.constant 1 : index
        %get3A_125 = arith.index_cast %mul3A_120 : i32 to index
        %get3A_126 = vector.load %arg0[%get3A_124, %get3A_125] : memref<8x5120xf32, #tpu.memory_space<vmem>>, vector<1x256xf32>
        %get3A_127 = arith.constant 2 : index
        %get3A_128 = arith.index_cast %mul3A_120 : i32 to index
        %get3A_129 = vector.load %arg0[%get3A_127, %get3A_128] : memref<8x5120xf32, #tpu.memory_space<vmem>>, vector<1x256xf32>
        %get3A_130 = arith.constant 3 : index
        %get3A_131 = arith.index_cast %mul3A_120 : i32 to index
        %get3A_132 = vector.load %arg0[%get3A_130, %get3A_131] : memref<8x5120xf32, #tpu.memory_space<vmem>>, vector<1x256xf32>
        %get3A_133 = arith.constant 4 : index
        %get3A_134 = arith.index_cast %mul3A_120 : i32 to index
        %get3A_135 = vector.load %arg0[%get3A_133, %get3A_134] : memref<8x5120xf32, #tpu.memory_space<vmem>>, vector<1x256xf32>
        %sub3A_136 = arith.subf %get3A_129, %get3A_123 : vector<1x256xf32>
        %sub3A_137 = arith.subf %get3A_132, %get3A_126 : vector<1x256xf32>
        %mul3A_138 = arith.mulf %sub3A_136, %sub3A_137 : vector<1x256xf32>
        %max3A_139 = vector.broadcast %get3A_24 : vector<256x1xf32> to vector<256x256xf32>
        %max3A_140 = vector.broadcast %get3A_123 : vector<1x256xf32> to vector<256x256xf32>
        %max3A_141 = arith.maximumf %max3A_139, %max3A_140 : vector<256x256xf32>
        %max3A_142 = vector.broadcast %get3A_27 : vector<256x1xf32> to vector<256x256xf32>
        %max3A_143 = vector.broadcast %get3A_126 : vector<1x256xf32> to vector<256x256xf32>
        %max3A_144 = arith.maximumf %max3A_142, %max3A_143 : vector<256x256xf32>
        %min3A_145 = vector.broadcast %get3A_30 : vector<256x1xf32> to vector<256x256xf32>
        %min3A_146 = vector.broadcast %get3A_129 : vector<1x256xf32> to vector<256x256xf32>
        %min3A_147 = arith.minimumf %min3A_145, %min3A_146 : vector<256x256xf32>
        %min3A_148 = vector.broadcast %get3A_33 : vector<256x1xf32> to vector<256x256xf32>
        %min3A_149 = vector.broadcast %get3A_132 : vector<1x256xf32> to vector<256x256xf32>
        %min3A_150 = arith.minimumf %min3A_148, %min3A_149 : vector<256x256xf32>
        %sub3A_151 = arith.subf %min3A_147, %max3A_141 : vector<256x256xf32>
        %jit3A_152 = arith.constant 0.000000e+00 : f32
        %max3A_153 = vector.broadcast %jit3A_152 : f32 to vector<256x256xf32>
        %max3A_154 = arith.maximumf %max3A_153, %sub3A_151 : vector<256x256xf32>
        %sub3A_155 = arith.subf %min3A_150, %max3A_144 : vector<256x256xf32>
        %jit3A_156 = arith.constant 0.000000e+00 : f32
        %max3A_157 = vector.broadcast %jit3A_156 : f32 to vector<256x256xf32>
        %max3A_158 = arith.maximumf %max3A_157, %sub3A_155 : vector<256x256xf32>
        %mul3A_159 = arith.mulf %max3A_154, %max3A_158 : vector<256x256xf32>
        %add3A_160 = vector.broadcast %mul3A_38 : vector<256x1xf32> to vector<256x256xf32>
        %add3A_161 = vector.broadcast %mul3A_138 : vector<1x256xf32> to vector<256x256xf32>
        %add3A_162 = arith.addf %add3A_160, %add3A_161 : vector<256x256xf32>
        %sub3A_163 = arith.subf %add3A_162, %mul3A_159 : vector<256x256xf32>
        %add3A_164 = arith.constant 9.99999971E-10 : f32
        %add3A_165 = vector.broadcast %add3A_164 : f32 to vector<256x256xf32>
        %add3A_166 = arith.addf %sub3A_163, %add3A_165 : vector<256x256xf32>
        %div3A_167 = arith.divf %mul3A_159, %add3A_166 : vector<256x256xf32>
        %iota3A_168 = tpu.iota {dimensions = array<i32: 0>} : vector<256x256xi32>
        %add3A_169 = vector.broadcast %mul3A_21 : i32 to vector<256x256xi32>
        %add3A_170 = arith.addi %add3A_169, %iota3A_168 : vector<256x256xi32>
        %iota3A_171 = tpu.iota {dimensions = array<i32: 1>} : vector<256x256xi32>
        %add3A_172 = vector.broadcast %mul3A_120 : i32 to vector<256x256xi32>
        %add3A_173 = arith.addi %add3A_172, %iota3A_171 : vector<256x256xi32>
        %gt3A_174 = arith.constant 0.699999988 : f32
        %gt3A_175 = vector.broadcast %gt3A_174 : f32 to vector<256x256xf32>
        %gt3A_176 = arith.cmpf ogt, %div3A_167, %gt3A_175 : vector<256x256xf32>
        %eq3A_177 = vector.broadcast %get3A_36 : vector<256x1xf32> to vector<256x256xf32>
        %eq3A_178 = vector.broadcast %get3A_135 : vector<1x256xf32> to vector<256x256xf32>
        %eq3A_179 = arith.cmpf oeq, %eq3A_177, %eq3A_178 : vector<256x256xf32>
        %and3A_180 = arith.andi %gt3A_176, %eq3A_179 : vector<256x256xi1>
        %gt3A_181 = arith.cmpi sgt, %add3A_173, %add3A_170 : vector<256x256xi32>
        %and3A_182 = arith.andi %and3A_180, %gt3A_181 : vector<256x256xi1>
        %convert_element_type3A_183 = arith.extui %and3A_182 : vector<256x256xi1> to vector<256x256xi32>
        %convert_element_type3A_184 = arith.sitofp %convert_element_type3A_183 : vector<256x256xi32> to vector<256x256xf32>
        %dot_general3A = arith.constant dense<0.000000e+00> : vector<1x256xf32>
        %dot_general3A_185 = tpu.matmul %while3A_101#0, %convert_element_type3A_184, %dot_general3A {dimension_numbers = #tpu.dot_dimension_numbers<[1], [0], [0], [1], [0, 0, 1, 1], [], []>, transpose_lhs_hint = false} : vector<1x256xf32>, vector<256x256xf32>, vector<1x256xf32> -> vector<1x256xf32>
        %get3A_186 = arith.constant 0 : index
        %get3A_187 = arith.index_cast %mul3A_120 : i32 to index
        %get3A_188 = vector.load %arg3[%get3A_186, %get3A_187] : memref<1x5120xf32, #tpu.memory_space<vmem>>, vector<1x256xf32>
        %min3A_189 = arith.constant 1.000000e+00 : f32
        %min3A_190 = vector.broadcast %min3A_189 : f32 to vector<1x256xf32>
        %min3A_191 = arith.minimumf %dot_general3A_185, %min3A_190 : vector<1x256xf32>
        %max3A_192 = arith.maximumf %get3A_188, %min3A_191 : vector<1x256xf32>
        %swap3A_193 = arith.constant 0 : index
        %swap3A_194 = arith.index_cast %mul3A_120 : i32 to index
        %swap3A_195 = vector.load %arg3[%swap3A_193, %swap3A_194] : memref<1x5120xf32, #tpu.memory_space<vmem>>, vector<1x256xf32>
        tpu.vector_store %arg3[%swap3A_193, %swap3A_194], %max3A_192 {strides = array<i32>} : memref<1x5120xf32, #tpu.memory_space<vmem>>, vector<1x256xf32>,
      }
    }
    %scan3A_6 = arith.constant 20 : i32
    %get3A = arith.constant 5 : index
    %get3A_7 = arith.constant 0 : index
    %get3A_8 = vector.load %arg0[%get3A, %get3A_7] : memref<8x5120xf32, #tpu.memory_space<vmem>>, vector<1x5120xf32>
    %get3A_9 = arith.constant 0 : index
    %get3A_10 = arith.constant 0 : index
    %get3A_11 = vector.load %arg3[%get3A_9, %get3A_10] : memref<1x5120xf32, #tpu.memory_space<vmem>>, vector<1x5120xf32>
    %lt3A = arith.constant 5.000000e-01 : f32
    %lt3A_12 = vector.broadcast %lt3A : f32 to vector<1x5120xf32>
    %lt3A_13 = arith.cmpf olt, %get3A_11, %lt3A_12 : vector<1x5120xf32>
    %gt3A = arith.constant 5.000000e-02 : f32
    %gt3A_14 = vector.broadcast %gt3A : f32 to vector<1x5120xf32>
    %gt3A_15 = arith.cmpf ogt, %get3A_8, %gt3A_14 : vector<1x5120xf32>
    %and3A = arith.andi %lt3A_13, %gt3A_15 : vector<1x5120xi1>
    %convert_element_type3A = arith.extui %and3A : vector<1x5120xi1> to vector<1x5120xi32>
    %convert_element_type3A_16 = arith.sitofp %convert_element_type3A : vector<1x5120xi32> to vector<1x5120xf32>
    %swap3A_17 = arith.constant 0 : index
    %swap3A_18 = arith.constant 0 : index
    %swap3A_19 = vector.load %arg2[%swap3A_17, %swap3A_18] : memref<1x5120xf32, #tpu.memory_space<vmem>>, vector<1x5120xf32>
    tpu.vector_store %arg2[%swap3A_17, %swap3A_18], %convert_element_type3A_16 {strides = array<i32>} : memref<1x5120xf32, #tpu.memory_space<vmem>>, vector<1x5120xf32>,
    return
  }
}

module attributes {stable_mosaic.version = 14 : i64} {
  func.func @_head_kernel(%arg0: i32, %arg1: memref<1x25x4xf32, #tpu.memory_space<vmem>>, %arg2: memref<128x8192xf32, #tpu.memory_space<vmem>>, %arg3: memref<3x3x64x256xf32, #tpu.memory_space<vmem>>, %arg4: memref<1x256xf32, #tpu.memory_space<vmem>>, %arg5: memref<3x3x256x256xf32, #tpu.memory_space<vmem>>, %arg6: memref<1x256xf32, #tpu.memory_space<vmem>>, %arg7: memref<3x3x256x256xf32, #tpu.memory_space<vmem>>, %arg8: memref<1x256xf32, #tpu.memory_space<vmem>>, %arg9: memref<3x3x256x256xf32, #tpu.memory_space<vmem>>, %arg10: memref<1x256xf32, #tpu.memory_space<vmem>>, %arg11: memref<2x2x256x256xf32, #tpu.memory_space<vmem>>, %arg12: memref<1x256xf32, #tpu.memory_space<vmem>>, %arg13: memref<256x1xf32, #tpu.memory_space<vmem>>, %arg14: memref<1x1xf32, #tpu.memory_space<vmem>>, %arg15: memref<2x2x256x256xf32, #tpu.memory_space<vmem>>, %arg16: memref<1x256xf32, #tpu.memory_space<vmem>>, %arg17: memref<256x2xf32, #tpu.memory_space<vmem>>, %arg18: memref<1x2xf32, #tpu.memory_space<vmem>>, %arg19: memref<25x4x7x7xf32, #tpu.memory_space<vmem>>, %arg20: memref<25x4x7x7x2xf32, #tpu.memory_space<vmem>>) attributes {dimension_semantics = [#tpu.dimension_semantics<arbitrary>], iteration_bounds = array<i64: 4>, scalar_prefetch = 0 : i64, scratch_operands = 0 : i64, tpu.core_type = #tpu.core_type<tc>, window_params = [{transform_indices = @transform_0, window_bounds = array<i64: 1, 25, 4>}, {pipeline_mode = #tpu.pipeline_mode<synchronous>, transform_indices = @transform_1, window_bounds = array<i64: 128, 8192>}, {pipeline_mode = #tpu.pipeline_mode<synchronous>, transform_indices = @transform_2, window_bounds = array<i64: 3, 3, 64, 256>}, {pipeline_mode = #tpu.pipeline_mode<synchronous>, transform_indices = @transform_3, window_bounds = array<i64: 1, 256>}, {pipeline_mode = #tpu.pipeline_mode<synchronous>, transform_indices = @transform_4, window_bounds = array<i64: 3, 3, 256, 256>}, {pipeline_mode = #tpu.pipeline_mode<synchronous>, transform_indices = @transform_5, window_bounds = array<i64: 1, 256>}, {pipeline_mode = #tpu.pipeline_mode<synchronous>, transform_indices = @transform_6, window_bounds = array<i64: 3, 3, 256, 256>}, {pipeline_mode = #tpu.pipeline_mode<synchronous>, transform_indices = @transform_7, window_bounds = array<i64: 1, 256>}, {pipeline_mode = #tpu.pipeline_mode<synchronous>, transform_indices = @transform_8, window_bounds = array<i64: 3, 3, 256, 256>}, {pipeline_mode = #tpu.pipeline_mode<synchronous>, transform_indices = @transform_9, window_bounds = array<i64: 1, 256>}, {pipeline_mode = #tpu.pipeline_mode<synchronous>, transform_indices = @transform_10, window_bounds = array<i64: 2, 2, 256, 256>}, {pipeline_mode = #tpu.pipeline_mode<synchronous>, transform_indices = @transform_11, window_bounds = array<i64: 1, 256>}, {pipeline_mode = #tpu.pipeline_mode<synchronous>, transform_indices = @transform_12, window_bounds = array<i64: 256, 1>}, {pipeline_mode = #tpu.pipeline_mode<synchronous>, transform_indices = @transform_13, window_bounds = array<i64: 1, 1>}, {pipeline_mode = #tpu.pipeline_mode<synchronous>, transform_indices = @transform_14, window_bounds = array<i64: 2, 2, 256, 256>}, {pipeline_mode = #tpu.pipeline_mode<synchronous>, transform_indices = @transform_15, window_bounds = array<i64: 1, 256>}, {pipeline_mode = #tpu.pipeline_mode<synchronous>, transform_indices = @transform_16, window_bounds = array<i64: 256, 2>}, {pipeline_mode = #tpu.pipeline_mode<synchronous>, transform_indices = @transform_17, window_bounds = array<i64: 1, 2>}, {transform_indices = @transform_18, window_bounds = array<i64: 25, 4, 7, 7>}, {transform_indices = @transform_19, window_bounds = array<i64: 25, 4, 7, 7, 2>}]} {
    %get3A = arith.constant 0 : index
    %get3A_0 = arith.constant 0 : index
    %get3A_1 = arith.constant 0 : index
    %get3A_2 = vector.load %arg1[%get3A, %get3A_0, %get3A_1] : memref<1x25x4xf32, #tpu.memory_space<vmem>>, vector<1x25x4xf32>
    %get3A_3 = vector.shape_cast %get3A_2 : vector<1x25x4xf32> to vector<25x4xf32>
    %slice3A = vector.extract_strided_slice %get3A_3 {offsets = [0, 0], sizes = [25, 1], strides = [1, 1]} : vector<25x4xf32> to vector<25x1xf32>
    %slice3A_4 = vector.extract_strided_slice %get3A_3 {offsets = [0, 1], sizes = [25, 1], strides = [1, 1]} : vector<25x4xf32> to vector<25x1xf32>
    %slice3A_5 = vector.extract_strided_slice %get3A_3 {offsets = [0, 2], sizes = [25, 1], strides = [1, 1]} : vector<25x4xf32> to vector<25x1xf32>
    %slice3A_6 = vector.extract_strided_slice %get3A_3 {offsets = [0, 3], sizes = [25, 1], strides = [1, 1]} : vector<25x4xf32> to vector<25x1xf32>
    %sub3A = arith.subf %slice3A_5, %slice3A : vector<25x1xf32>
    %div3A = arith.constant 7.000000e+00 : f32
    %div3A_7 = vector.broadcast %div3A : f32 to vector<25x1xf32>
    %div3A_8 = arith.divf %sub3A, %div3A_7 : vector<25x1xf32>
    %sub3A_9 = arith.subf %slice3A_6, %slice3A_4 : vector<25x1xf32>
    %div3A_10 = arith.constant 7.000000e+00 : f32
    %div3A_11 = vector.broadcast %div3A_10 : f32 to vector<25x1xf32>
    %div3A_12 = arith.divf %sub3A_9, %div3A_11 : vector<25x1xf32>
    %iota3A = tpu.iota {dimensions = array<i32: 1>} : vector<25x7xi32>
    %convert_element_type3A = arith.sitofp %iota3A : vector<25x7xi32> to vector<25x7xf32>
    %add3A = arith.constant 5.000000e-01 : f32
    %add3A_13 = vector.broadcast %add3A : f32 to vector<25x7xf32>
    %add3A_14 = arith.addf %convert_element_type3A, %add3A_13 : vector<25x7xf32>
    %mul3A = vector.broadcast %div3A_8 : vector<25x1xf32> to vector<25x7xf32>
    %mul3A_15 = arith.mulf %add3A_14, %mul3A : vector<25x7xf32>
    %add3A_16 = vector.broadcast %slice3A : vector<25x1xf32> to vector<25x7xf32>
    %add3A_17 = arith.addf %add3A_16, %mul3A_15 : vector<25x7xf32>
    %add3A_18 = arith.constant 5.000000e-01 : f32
    %add3A_19 = vector.broadcast %add3A_18 : f32 to vector<25x7xf32>
    %add3A_20 = arith.addf %convert_element_type3A, %add3A_19 : vector<25x7xf32>
    %mul3A_21 = vector.broadcast %div3A_12 : vector<25x1xf32> to vector<25x7xf32>
    %mul3A_22 = arith.mulf %add3A_20, %mul3A_21 : vector<25x7xf32>
    %add3A_23 = vector.broadcast %slice3A_4 : vector<25x1xf32> to vector<25x7xf32>
    %add3A_24 = arith.addf %add3A_23, %mul3A_22 : vector<25x7xf32>
    %floor3A = math.floor %add3A_24 : vector<25x7xf32>
    %sub3A_25 = arith.subf %add3A_24, %floor3A : vector<25x7xf32>
    %convert_element_type3A_26 = arith.fptosi %floor3A : vector<25x7xf32> to vector<25x7xi32>
    %jit3A = arith.constant 0 : i32
    %jit3A_27 = arith.constant 127 : i32
    %max3A = vector.broadcast %jit3A : i32 to vector<25x7xi32>
    %max3A_28 = arith.maxsi %max3A, %convert_element_type3A_26 : vector<25x7xi32>
    %min3A = vector.broadcast %jit3A_27 : i32 to vector<25x7xi32>
    %min3A_29 = arith.minsi %min3A, %max3A_28 : vector<25x7xi32>
    %add3A_30 = arith.constant 1 : i32
    %add3A_31 = vector.broadcast %add3A_30 : i32 to vector<25x7xi32>
    %add3A_32 = arith.addi %min3A_29, %add3A_31 : vector<25x7xi32>
    %jit3A_33 = arith.constant 0 : i32
    %jit3A_34 = arith.constant 127 : i32
    %max3A_35 = vector.broadcast %jit3A_33 : i32 to vector<25x7xi32>
    %max3A_36 = arith.maxsi %max3A_35, %add3A_32 : vector<25x7xi32>
    %min3A_37 = vector.broadcast %jit3A_34 : i32 to vector<25x7xi32>
    %min3A_38 = arith.minsi %min3A_37, %max3A_36 : vector<25x7xi32>
    %iota3A_39 = tpu.iota {dimensions = array<i32: 2>} : vector<25x7x128xi32>
    %broadcast_in_dim3A = vector.shape_cast %min3A_29 : vector<25x7xi32> to vector<25x7x1xi32>
    %eq3A = vector.broadcast %broadcast_in_dim3A : vector<25x7x1xi32> to vector<25x7x128xi32>
    %eq3A_40 = arith.cmpi eq, %iota3A_39, %eq3A : vector<25x7x128xi32>
    %sub3A_41 = arith.constant 1.000000e+00 : f32
    %sub3A_42 = vector.broadcast %sub3A_41 : f32 to vector<25x7xf32>
    %sub3A_43 = arith.subf %sub3A_42, %sub3A_25 : vector<25x7xf32>
    %broadcast_in_dim3A_44 = vector.shape_cast %sub3A_43 : vector<25x7xf32> to vector<25x7x1xf32>
    %jit3A_45 = arith.constant 0.000000e+00 : f32
    %broadcast_in_dim3A_46 = vector.shape_cast %broadcast_in_dim3A_44 : vector<25x7x1xf32> to vector<25x7x1xf32>
    %broadcast_in_dim3A_47 = vector.broadcast %broadcast_in_dim3A_46 : vector<25x7x1xf32> to vector<25x7x128xf32>
    %broadcast_in_dim3A_48 = vector.broadcast %jit3A_45 : f32 to vector<25x7x128xf32>
    %select_n3A = arith.select %eq3A_40, %broadcast_in_dim3A_47, %broadcast_in_dim3A_48 : vector<25x7x128xi1>, vector<25x7x128xf32>
    %broadcast_in_dim3A_49 = vector.shape_cast %min3A_38 : vector<25x7xi32> to vector<25x7x1xi32>
    %eq3A_50 = vector.broadcast %broadcast_in_dim3A_49 : vector<25x7x1xi32> to vector<25x7x128xi32>
    %eq3A_51 = arith.cmpi eq, %iota3A_39, %eq3A_50 : vector<25x7x128xi32>
    %broadcast_in_dim3A_52 = vector.shape_cast %sub3A_25 : vector<25x7xf32> to vector<25x7x1xf32>
    %jit3A_53 = arith.constant 0.000000e+00 : f32
    %broadcast_in_dim3A_54 = vector.shape_cast %broadcast_in_dim3A_52 : vector<25x7x1xf32> to vector<25x7x1xf32>
    %broadcast_in_dim3A_55 = vector.broadcast %broadcast_in_dim3A_54 : vector<25x7x1xf32> to vector<25x7x128xf32>
    %broadcast_in_dim3A_56 = vector.broadcast %jit3A_53 : f32 to vector<25x7x128xf32>
    %select_n3A_57 = arith.select %eq3A_51, %broadcast_in_dim3A_55, %broadcast_in_dim3A_56 : vector<25x7x128xi1>, vector<25x7x128xf32>
    %add3A_58 = arith.addf %select_n3A, %select_n3A_57 : vector<25x7x128xf32>
    %floor3A_59 = math.floor %add3A_17 : vector<25x7xf32>
    %sub3A_60 = arith.subf %add3A_17, %floor3A_59 : vector<25x7xf32>
    %convert_element_type3A_61 = arith.fptosi %floor3A_59 : vector<25x7xf32> to vector<25x7xi32>
    %jit3A_62 = arith.constant 0 : i32
    %jit3A_63 = arith.constant 127 : i32
    %max3A_64 = vector.broadcast %jit3A_62 : i32 to vector<25x7xi32>
    %max3A_65 = arith.maxsi %max3A_64, %convert_element_type3A_61 : vector<25x7xi32>
    %min3A_66 = vector.broadcast %jit3A_63 : i32 to vector<25x7xi32>
    %min3A_67 = arith.minsi %min3A_66, %max3A_65 : vector<25x7xi32>
    %add3A_68 = arith.constant 1 : i32
    %add3A_69 = vector.broadcast %add3A_68 : i32 to vector<25x7xi32>
    %add3A_70 = arith.addi %min3A_67, %add3A_69 : vector<25x7xi32>
    %jit3A_71 = arith.constant 0 : i32
    %jit3A_72 = arith.constant 127 : i32
    %max3A_73 = vector.broadcast %jit3A_71 : i32 to vector<25x7xi32>
    %max3A_74 = arith.maxsi %max3A_73, %add3A_70 : vector<25x7xi32>
    %min3A_75 = vector.broadcast %jit3A_72 : i32 to vector<25x7xi32>
    %min3A_76 = arith.minsi %min3A_75, %max3A_74 : vector<25x7xi32>
    %iota3A_77 = tpu.iota {dimensions = array<i32: 2>} : vector<25x7x128xi32>
    %broadcast_in_dim3A_78 = vector.shape_cast %min3A_67 : vector<25x7xi32> to vector<25x7x1xi32>
    %eq3A_79 = vector.broadcast %broadcast_in_dim3A_78 : vector<25x7x1xi32> to vector<25x7x128xi32>
    %eq3A_80 = arith.cmpi eq, %iota3A_77, %eq3A_79 : vector<25x7x128xi32>
    %sub3A_81 = arith.constant 1.000000e+00 : f32
    %sub3A_82 = vector.broadcast %sub3A_81 : f32 to vector<25x7xf32>
    %sub3A_83 = arith.subf %sub3A_82, %sub3A_60 : vector<25x7xf32>
    %broadcast_in_dim3A_84 = vector.shape_cast %sub3A_83 : vector<25x7xf32> to vector<25x7x1xf32>
    %jit3A_85 = arith.constant 0.000000e+00 : f32
    %broadcast_in_dim3A_86 = vector.shape_cast %broadcast_in_dim3A_84 : vector<25x7x1xf32> to vector<25x7x1xf32>
    %broadcast_in_dim3A_87 = vector.broadcast %broadcast_in_dim3A_86 : vector<25x7x1xf32> to vector<25x7x128xf32>
    %broadcast_in_dim3A_88 = vector.broadcast %jit3A_85 : f32 to vector<25x7x128xf32>
    %select_n3A_89 = arith.select %eq3A_80, %broadcast_in_dim3A_87, %broadcast_in_dim3A_88 : vector<25x7x128xi1>, vector<25x7x128xf32>
    %broadcast_in_dim3A_90 = vector.shape_cast %min3A_76 : vector<25x7xi32> to vector<25x7x1xi32>
    %eq3A_91 = vector.broadcast %broadcast_in_dim3A_90 : vector<25x7x1xi32> to vector<25x7x128xi32>
    %eq3A_92 = arith.cmpi eq, %iota3A_77, %eq3A_91 : vector<25x7x128xi32>
    %broadcast_in_dim3A_93 = vector.shape_cast %sub3A_60 : vector<25x7xf32> to vector<25x7x1xf32>
    %jit3A_94 = arith.constant 0.000000e+00 : f32
    %broadcast_in_dim3A_95 = vector.shape_cast %broadcast_in_dim3A_93 : vector<25x7x1xf32> to vector<25x7x1xf32>
    %broadcast_in_dim3A_96 = vector.broadcast %broadcast_in_dim3A_95 : vector<25x7x1xf32> to vector<25x7x128xf32>
    %broadcast_in_dim3A_97 = vector.broadcast %jit3A_94 : f32 to vector<25x7x128xf32>
    %select_n3A_98 = arith.select %eq3A_92, %broadcast_in_dim3A_96, %broadcast_in_dim3A_97 : vector<25x7x128xi1>, vector<25x7x128xf32>
    %add3A_99 = arith.addf %select_n3A_89, %select_n3A_98 : vector<25x7x128xf32>
    %reshape3A = vector.shape_cast %add3A_58 : vector<25x7x128xf32> to vector<175x128xf32>
    %get3A_100 = arith.constant 0 : index
    %get3A_101 = arith.constant 0 : index
    %get3A_102 = vector.load %arg2[%get3A_100, %get3A_101] : memref<128x8192xf32, #tpu.memory_space<vmem>>, vector<128x8192xf32>
    %dot_general3A = arith.constant dense<0.000000e+00> : vector<175x8192xf32>
    %dot_general3A_103 = tpu.matmul %reshape3A, %get3A_102, %dot_general3A {dimension_numbers = #tpu.dot_dimension_numbers<[1], [0], [0], [1], [0, 0, 1, 1], [], []>, transpose_lhs_hint = false} : vector<175x128xf32>, vector<128x8192xf32>, vector<175x8192xf32> -> vector<175x8192xf32>
    %reshape3A_104 = vector.shape_cast %dot_general3A_103 : vector<175x8192xf32> to vector<25x448x128xf32>
    %dot_general3A_105 = arith.constant dense<0.000000e+00> : vector<25x448x7xf32>
    %dot_general3A_106 = tpu.matmul %reshape3A_104, %add3A_99, %dot_general3A_105 {dimension_numbers = #tpu.dot_dimension_numbers<[2], [2], [1], [1], [0, 0, 0, 1, 1, 1], [0], [0]>, transpose_lhs_hint = false} : vector<25x448x128xf32>, vector<25x7x128xf32>, vector<25x448x7xf32> -> vector<25x448x7xf32>
    %reshape3A_107 = vector.shape_cast %dot_general3A_106 : vector<25x448x7xf32> to vector<25x7x64x7xf32>
    %transpose3A = tpu.transpose %reshape3A_107, [0, 1, 3, 2] : vector<25x7x64x7xf32> -> vector<25x7x7x64xf32>
    %broadcast_in_dim3A_108 = arith.constant 0.000000e+00 : f32
    %broadcast_in_dim3A_109 = vector.broadcast %broadcast_in_dim3A_108 : f32 to vector<25x1x7x64xf32>
    %concatenate3A = tpu.concatenate %broadcast_in_dim3A_109, %transpose3A, %broadcast_in_dim3A_109 in 1 : vector<25x1x7x64xf32>, vector<25x7x7x64xf32>, vector<25x1x7x64xf32> -> vector<25x9x7x64xf32>
    %broadcast_in_dim3A_110 = arith.constant 0.000000e+00 : f32
    %broadcast_in_dim3A_111 = vector.broadcast %broadcast_in_dim3A_110 : f32 to vector<25x9x1x64xf32>
    %concatenate3A_112 = tpu.concatenate %broadcast_in_dim3A_111, %concatenate3A, %broadcast_in_dim3A_111 in 2 : vector<25x9x1x64xf32>, vector<25x9x7x64xf32>, vector<25x9x1x64xf32> -> vector<25x9x9x64xf32>
    %slice3A_113 = vector.extract_strided_slice %concatenate3A_112 {offsets = [0, 0, 0, 0], sizes = [25, 7, 7, 64], strides = [1, 1, 1, 1]} : vector<25x9x9x64xf32> to vector<25x7x7x64xf32>
    %reshape3A_114 = vector.shape_cast %slice3A_113 : vector<25x7x7x64xf32> to vector<1225x64xf32>
    %get3A_115 = arith.constant 0 : index
    %get3A_116 = arith.constant 0 : index
    %get3A_117 = arith.constant 0 : index
    %get3A_118 = arith.constant 0 : index
    %get3A_119 = vector.load %arg3[%get3A_115, %get3A_116, %get3A_117, %get3A_118] : memref<3x3x64x256xf32, #tpu.memory_space<vmem>>, vector<1x1x64x256xf32>
    %get3A_120 = vector.shape_cast %get3A_119 : vector<1x1x64x256xf32> to vector<64x256xf32>
    %dot_general3A_121 = arith.constant dense<0.000000e+00> : vector<1225x256xf32>
    %dot_general3A_122 = tpu.matmul %reshape3A_114, %get3A_120, %dot_general3A_121 {dimension_numbers = #tpu.dot_dimension_numbers<[1], [0], [0], [1], [0, 0, 1, 1], [], []>, transpose_lhs_hint = false} : vector<1225x64xf32>, vector<64x256xf32>, vector<1225x256xf32> -> vector<1225x256xf32>
    %slice3A_123 = vector.extract_strided_slice %concatenate3A_112 {offsets = [0, 0, 1, 0], sizes = [25, 7, 7, 64], strides = [1, 1, 1, 1]} : vector<25x9x9x64xf32> to vector<25x7x7x64xf32>
    %reshape3A_124 = vector.shape_cast %slice3A_123 : vector<25x7x7x64xf32> to vector<1225x64xf32>
    %get3A_125 = arith.constant 0 : index
    %get3A_126 = arith.constant 1 : index
    %get3A_127 = arith.constant 0 : index
    %get3A_128 = arith.constant 0 : index
    %get3A_129 = vector.load %arg3[%get3A_125, %get3A_126, %get3A_127, %get3A_128] : memref<3x3x64x256xf32, #tpu.memory_space<vmem>>, vector<1x1x64x256xf32>
    %get3A_130 = vector.shape_cast %get3A_129 : vector<1x1x64x256xf32> to vector<64x256xf32>
    %dot_general3A_131 = arith.constant dense<0.000000e+00> : vector<1225x256xf32>
    %dot_general3A_132 = tpu.matmul %reshape3A_124, %get3A_130, %dot_general3A_131 {dimension_numbers = #tpu.dot_dimension_numbers<[1], [0], [0], [1], [0, 0, 1, 1], [], []>, transpose_lhs_hint = false} : vector<1225x64xf32>, vector<64x256xf32>, vector<1225x256xf32> -> vector<1225x256xf32>
    %add3A_133 = arith.addf %dot_general3A_122, %dot_general3A_132 : vector<1225x256xf32>
    %slice3A_134 = vector.extract_strided_slice %concatenate3A_112 {offsets = [0, 0, 2, 0], sizes = [25, 7, 7, 64], strides = [1, 1, 1, 1]} : vector<25x9x9x64xf32> to vector<25x7x7x64xf32>
    %reshape3A_135 = vector.shape_cast %slice3A_134 : vector<25x7x7x64xf32> to vector<1225x64xf32>
    %get3A_136 = arith.constant 0 : index
    %get3A_137 = arith.constant 2 : index
    %get3A_138 = arith.constant 0 : index
    %get3A_139 = arith.constant 0 : index
    %get3A_140 = vector.load %arg3[%get3A_136, %get3A_137, %get3A_138, %get3A_139] : memref<3x3x64x256xf32, #tpu.memory_space<vmem>>, vector<1x1x64x256xf32>
    %get3A_141 = vector.shape_cast %get3A_140 : vector<1x1x64x256xf32> to vector<64x256xf32>
    %dot_general3A_142 = arith.constant dense<0.000000e+00> : vector<1225x256xf32>
    %dot_general3A_143 = tpu.matmul %reshape3A_135, %get3A_141, %dot_general3A_142 {dimension_numbers = #tpu.dot_dimension_numbers<[1], [0], [0], [1], [0, 0, 1, 1], [], []>, transpose_lhs_hint = false} : vector<1225x64xf32>, vector<64x256xf32>, vector<1225x256xf32> -> vector<1225x256xf32>
    %add3A_144 = arith.addf %add3A_133, %dot_general3A_143 : vector<1225x256xf32>
    %slice3A_145 = vector.extract_strided_slice %concatenate3A_112 {offsets = [0, 1, 0, 0], sizes = [25, 7, 7, 64], strides = [1, 1, 1, 1]} : vector<25x9x9x64xf32> to vector<25x7x7x64xf32>
    %reshape3A_146 = vector.shape_cast %slice3A_145 : vector<25x7x7x64xf32> to vector<1225x64xf32>
    %get3A_147 = arith.constant 1 : index
    %get3A_148 = arith.constant 0 : index
    %get3A_149 = arith.constant 0 : index
    %get3A_150 = arith.constant 0 : index
    %get3A_151 = vector.load %arg3[%get3A_147, %get3A_148, %get3A_149, %get3A_150] : memref<3x3x64x256xf32, #tpu.memory_space<vmem>>, vector<1x1x64x256xf32>
    %get3A_152 = vector.shape_cast %get3A_151 : vector<1x1x64x256xf32> to vector<64x256xf32>
    %dot_general3A_153 = arith.constant dense<0.000000e+00> : vector<1225x256xf32>
    %dot_general3A_154 = tpu.matmul %reshape3A_146, %get3A_152, %dot_general3A_153 {dimension_numbers = #tpu.dot_dimension_numbers<[1], [0], [0], [1], [0, 0, 1, 1], [], []>, transpose_lhs_hint = false} : vector<1225x64xf32>, vector<64x256xf32>, vector<1225x256xf32> -> vector<1225x256xf32>
    %add3A_155 = arith.addf %add3A_144, %dot_general3A_154 : vector<1225x256xf32>
    %slice3A_156 = vector.extract_strided_slice %concatenate3A_112 {offsets = [0, 1, 1, 0], sizes = [25, 7, 7, 64], strides = [1, 1, 1, 1]} : vector<25x9x9x64xf32> to vector<25x7x7x64xf32>
    %reshape3A_157 = vector.shape_cast %slice3A_156 : vector<25x7x7x64xf32> to vector<1225x64xf32>
    %get3A_158 = arith.constant 1 : index
    %get3A_159 = arith.constant 1 : index
    %get3A_160 = arith.constant 0 : index
    %get3A_161 = arith.constant 0 : index
    %get3A_162 = vector.load %arg3[%get3A_158, %get3A_159, %get3A_160, %get3A_161] : memref<3x3x64x256xf32, #tpu.memory_space<vmem>>, vector<1x1x64x256xf32>
    %get3A_163 = vector.shape_cast %get3A_162 : vector<1x1x64x256xf32> to vector<64x256xf32>
    %dot_general3A_164 = arith.constant dense<0.000000e+00> : vector<1225x256xf32>
    %dot_general3A_165 = tpu.matmul %reshape3A_157, %get3A_163, %dot_general3A_164 {dimension_numbers = #tpu.dot_dimension_numbers<[1], [0], [0], [1], [0, 0, 1, 1], [], []>, transpose_lhs_hint = false} : vector<1225x64xf32>, vector<64x256xf32>, vector<1225x256xf32> -> vector<1225x256xf32>
    %add3A_166 = arith.addf %add3A_155, %dot_general3A_165 : vector<1225x256xf32>
    %slice3A_167 = vector.extract_strided_slice %concatenate3A_112 {offsets = [0, 1, 2, 0], sizes = [25, 7, 7, 64], strides = [1, 1, 1, 1]} : vector<25x9x9x64xf32> to vector<25x7x7x64xf32>
    %reshape3A_168 = vector.shape_cast %slice3A_167 : vector<25x7x7x64xf32> to vector<1225x64xf32>
    %get3A_169 = arith.constant 1 : index
    %get3A_170 = arith.constant 2 : index
    %get3A_171 = arith.constant 0 : index
    %get3A_172 = arith.constant 0 : index
    %get3A_173 = vector.load %arg3[%get3A_169, %get3A_170, %get3A_171, %get3A_172] : memref<3x3x64x256xf32, #tpu.memory_space<vmem>>, vector<1x1x64x256xf32>
    %get3A_174 = vector.shape_cast %get3A_173 : vector<1x1x64x256xf32> to vector<64x256xf32>
    %dot_general3A_175 = arith.constant dense<0.000000e+00> : vector<1225x256xf32>
    %dot_general3A_176 = tpu.matmul %reshape3A_168, %get3A_174, %dot_general3A_175 {dimension_numbers = #tpu.dot_dimension_numbers<[1], [0], [0], [1], [0, 0, 1, 1], [], []>, transpose_lhs_hint = false} : vector<1225x64xf32>, vector<64x256xf32>, vector<1225x256xf32> -> vector<1225x256xf32>
    %add3A_177 = arith.addf %add3A_166, %dot_general3A_176 : vector<1225x256xf32>
    %slice3A_178 = vector.extract_strided_slice %concatenate3A_112 {offsets = [0, 2, 0, 0], sizes = [25, 7, 7, 64], strides = [1, 1, 1, 1]} : vector<25x9x9x64xf32> to vector<25x7x7x64xf32>
    %reshape3A_179 = vector.shape_cast %slice3A_178 : vector<25x7x7x64xf32> to vector<1225x64xf32>
    %get3A_180 = arith.constant 2 : index
    %get3A_181 = arith.constant 0 : index
    %get3A_182 = arith.constant 0 : index
    %get3A_183 = arith.constant 0 : index
    %get3A_184 = vector.load %arg3[%get3A_180, %get3A_181, %get3A_182, %get3A_183] : memref<3x3x64x256xf32, #tpu.memory_space<vmem>>, vector<1x1x64x256xf32>
    %get3A_185 = vector.shape_cast %get3A_184 : vector<1x1x64x256xf32> to vector<64x256xf32>
    %dot_general3A_186 = arith.constant dense<0.000000e+00> : vector<1225x256xf32>
    %dot_general3A_187 = tpu.matmul %reshape3A_179, %get3A_185, %dot_general3A_186 {dimension_numbers = #tpu.dot_dimension_numbers<[1], [0], [0], [1], [0, 0, 1, 1], [], []>, transpose_lhs_hint = false} : vector<1225x64xf32>, vector<64x256xf32>, vector<1225x256xf32> -> vector<1225x256xf32>
    %add3A_188 = arith.addf %add3A_177, %dot_general3A_187 : vector<1225x256xf32>
    %slice3A_189 = vector.extract_strided_slice %concatenate3A_112 {offsets = [0, 2, 1, 0], sizes = [25, 7, 7, 64], strides = [1, 1, 1, 1]} : vector<25x9x9x64xf32> to vector<25x7x7x64xf32>
    %reshape3A_190 = vector.shape_cast %slice3A_189 : vector<25x7x7x64xf32> to vector<1225x64xf32>
    %get3A_191 = arith.constant 2 : index
    %get3A_192 = arith.constant 1 : index
    %get3A_193 = arith.constant 0 : index
    %get3A_194 = arith.constant 0 : index
    %get3A_195 = vector.load %arg3[%get3A_191, %get3A_192, %get3A_193, %get3A_194] : memref<3x3x64x256xf32, #tpu.memory_space<vmem>>, vector<1x1x64x256xf32>
    %get3A_196 = vector.shape_cast %get3A_195 : vector<1x1x64x256xf32> to vector<64x256xf32>
    %dot_general3A_197 = arith.constant dense<0.000000e+00> : vector<1225x256xf32>
    %dot_general3A_198 = tpu.matmul %reshape3A_190, %get3A_196, %dot_general3A_197 {dimension_numbers = #tpu.dot_dimension_numbers<[1], [0], [0], [1], [0, 0, 1, 1], [], []>, transpose_lhs_hint = false} : vector<1225x64xf32>, vector<64x256xf32>, vector<1225x256xf32> -> vector<1225x256xf32>
    %add3A_199 = arith.addf %add3A_188, %dot_general3A_198 : vector<1225x256xf32>
    %slice3A_200 = vector.extract_strided_slice %concatenate3A_112 {offsets = [0, 2, 2, 0], sizes = [25, 7, 7, 64], strides = [1, 1, 1, 1]} : vector<25x9x9x64xf32> to vector<25x7x7x64xf32>
    %reshape3A_201 = vector.shape_cast %slice3A_200 : vector<25x7x7x64xf32> to vector<1225x64xf32>
    %get3A_202 = arith.constant 2 : index
    %get3A_203 = arith.constant 2 : index
    %get3A_204 = arith.constant 0 : index
    %get3A_205 = arith.constant 0 : index
    %get3A_206 = vector.load %arg3[%get3A_202, %get3A_203, %get3A_204, %get3A_205] : memref<3x3x64x256xf32, #tpu.memory_space<vmem>>, vector<1x1x64x256xf32>
    %get3A_207 = vector.shape_cast %get3A_206 : vector<1x1x64x256xf32> to vector<64x256xf32>
    %dot_general3A_208 = arith.constant dense<0.000000e+00> : vector<1225x256xf32>
    %dot_general3A_209 = tpu.matmul %reshape3A_201, %get3A_207, %dot_general3A_208 {dimension_numbers = #tpu.dot_dimension_numbers<[1], [0], [0], [1], [0, 0, 1, 1], [], []>, transpose_lhs_hint = false} : vector<1225x64xf32>, vector<64x256xf32>, vector<1225x256xf32> -> vector<1225x256xf32>
    %add3A_210 = arith.addf %add3A_199, %dot_general3A_209 : vector<1225x256xf32>
    %get3A_211 = arith.constant 0 : index
    %get3A_212 = arith.constant 0 : index
    %get3A_213 = vector.load %arg4[%get3A_211, %get3A_212] : memref<1x256xf32, #tpu.memory_space<vmem>>, vector<1x256xf32>
    %add3A_214 = vector.broadcast %get3A_213 : vector<1x256xf32> to vector<1225x256xf32>
    %add3A_215 = arith.addf %add3A_210, %add3A_214 : vector<1225x256xf32>
    %max3A_216 = arith.constant 0.000000e+00 : f32
    %max3A_217 = vector.broadcast %max3A_216 : f32 to vector<1225x256xf32>
    %max3A_218 = arith.maximumf %add3A_215, %max3A_217 : vector<1225x256xf32>
    %reshape3A_219 = vector.shape_cast %max3A_218 : vector<1225x256xf32> to vector<25x7x7x256xf32>
    %broadcast_in_dim3A_220 = arith.constant 0.000000e+00 : f32
    %broadcast_in_dim3A_221 = vector.broadcast %broadcast_in_dim3A_220 : f32 to vector<25x1x7x256xf32>
    %concatenate3A_222 = tpu.concatenate %broadcast_in_dim3A_221, %reshape3A_219, %broadcast_in_dim3A_221 in 1 : vector<25x1x7x256xf32>, vector<25x7x7x256xf32>, vector<25x1x7x256xf32> -> vector<25x9x7x256xf32>
    %broadcast_in_dim3A_223 = arith.constant 0.000000e+00 : f32
    %broadcast_in_dim3A_224 = vector.broadcast %broadcast_in_dim3A_223 : f32 to vector<25x9x1x256xf32>
    %concatenate3A_225 = tpu.concatenate %broadcast_in_dim3A_224, %concatenate3A_222, %broadcast_in_dim3A_224 in 2 : vector<25x9x1x256xf32>, vector<25x9x7x256xf32>, vector<25x9x1x256xf32> -> vector<25x9x9x256xf32>
    %slice3A_226 = vector.extract_strided_slice %concatenate3A_225 {offsets = [0, 0, 0, 0], sizes = [25, 7, 7, 256], strides = [1, 1, 1, 1]} : vector<25x9x9x256xf32> to vector<25x7x7x256xf32>
    %reshape3A_227 = vector.shape_cast %slice3A_226 : vector<25x7x7x256xf32> to vector<1225x256xf32>
    %get3A_228 = arith.constant 0 : index
    %get3A_229 = arith.constant 0 : index
    %get3A_230 = arith.constant 0 : index
    %get3A_231 = arith.constant 0 : index
    %get3A_232 = vector.load %arg5[%get3A_228, %get3A_229, %get3A_230, %get3A_231] : memref<3x3x256x256xf32, #tpu.memory_space<vmem>>, vector<1x1x256x256xf32>
    %get3A_233 = vector.shape_cast %get3A_232 : vector<1x1x256x256xf32> to vector<256x256xf32>
    %dot_general3A_234 = arith.constant dense<0.000000e+00> : vector<1225x256xf32>
    %dot_general3A_235 = tpu.matmul %reshape3A_227, %get3A_233, %dot_general3A_234 {dimension_numbers = #tpu.dot_dimension_numbers<[1], [0], [0], [1], [0, 0, 1, 1], [], []>, transpose_lhs_hint = false} : vector<1225x256xf32>, vector<256x256xf32>, vector<1225x256xf32> -> vector<1225x256xf32>
    %slice3A_236 = vector.extract_strided_slice %concatenate3A_225 {offsets = [0, 0, 1, 0], sizes = [25, 7, 7, 256], strides = [1, 1, 1, 1]} : vector<25x9x9x256xf32> to vector<25x7x7x256xf32>
    %reshape3A_237 = vector.shape_cast %slice3A_236 : vector<25x7x7x256xf32> to vector<1225x256xf32>
    %get3A_238 = arith.constant 0 : index
    %get3A_239 = arith.constant 1 : index
    %get3A_240 = arith.constant 0 : index
    %get3A_241 = arith.constant 0 : index
    %get3A_242 = vector.load %arg5[%get3A_238, %get3A_239, %get3A_240, %get3A_241] : memref<3x3x256x256xf32, #tpu.memory_space<vmem>>, vector<1x1x256x256xf32>
    %get3A_243 = vector.shape_cast %get3A_242 : vector<1x1x256x256xf32> to vector<256x256xf32>
    %dot_general3A_244 = arith.constant dense<0.000000e+00> : vector<1225x256xf32>
    %dot_general3A_245 = tpu.matmul %reshape3A_237, %get3A_243, %dot_general3A_244 {dimension_numbers = #tpu.dot_dimension_numbers<[1], [0], [0], [1], [0, 0, 1, 1], [], []>, transpose_lhs_hint = false} : vector<1225x256xf32>, vector<256x256xf32>, vector<1225x256xf32> -> vector<1225x256xf32>
    %add3A_246 = arith.addf %dot_general3A_235, %dot_general3A_245 : vector<1225x256xf32>
    %slice3A_247 = vector.extract_strided_slice %concatenate3A_225 {offsets = [0, 0, 2, 0], sizes = [25, 7, 7, 256], strides = [1, 1, 1, 1]} : vector<25x9x9x256xf32> to vector<25x7x7x256xf32>
    %reshape3A_248 = vector.shape_cast %slice3A_247 : vector<25x7x7x256xf32> to vector<1225x256xf32>
    %get3A_249 = arith.constant 0 : index
    %get3A_250 = arith.constant 2 : index
    %get3A_251 = arith.constant 0 : index
    %get3A_252 = arith.constant 0 : index
    %get3A_253 = vector.load %arg5[%get3A_249, %get3A_250, %get3A_251, %get3A_252] : memref<3x3x256x256xf32, #tpu.memory_space<vmem>>, vector<1x1x256x256xf32>
    %get3A_254 = vector.shape_cast %get3A_253 : vector<1x1x256x256xf32> to vector<256x256xf32>
    %dot_general3A_255 = arith.constant dense<0.000000e+00> : vector<1225x256xf32>
    %dot_general3A_256 = tpu.matmul %reshape3A_248, %get3A_254, %dot_general3A_255 {dimension_numbers = #tpu.dot_dimension_numbers<[1], [0], [0], [1], [0, 0, 1, 1], [], []>, transpose_lhs_hint = false} : vector<1225x256xf32>, vector<256x256xf32>, vector<1225x256xf32> -> vector<1225x256xf32>
    %add3A_257 = arith.addf %add3A_246, %dot_general3A_256 : vector<1225x256xf32>
    %slice3A_258 = vector.extract_strided_slice %concatenate3A_225 {offsets = [0, 1, 0, 0], sizes = [25, 7, 7, 256], strides = [1, 1, 1, 1]} : vector<25x9x9x256xf32> to vector<25x7x7x256xf32>
    %reshape3A_259 = vector.shape_cast %slice3A_258 : vector<25x7x7x256xf32> to vector<1225x256xf32>
    %get3A_260 = arith.constant 1 : index
    %get3A_261 = arith.constant 0 : index
    %get3A_262 = arith.constant 0 : index
    %get3A_263 = arith.constant 0 : index
    %get3A_264 = vector.load %arg5[%get3A_260, %get3A_261, %get3A_262, %get3A_263] : memref<3x3x256x256xf32, #tpu.memory_space<vmem>>, vector<1x1x256x256xf32>
    %get3A_265 = vector.shape_cast %get3A_264 : vector<1x1x256x256xf32> to vector<256x256xf32>
    %dot_general3A_266 = arith.constant dense<0.000000e+00> : vector<1225x256xf32>
    %dot_general3A_267 = tpu.matmul %reshape3A_259, %get3A_265, %dot_general3A_266 {dimension_numbers = #tpu.dot_dimension_numbers<[1], [0], [0], [1], [0, 0, 1, 1], [], []>, transpose_lhs_hint = false} : vector<1225x256xf32>, vector<256x256xf32>, vector<1225x256xf32> -> vector<1225x256xf32>
    %add3A_268 = arith.addf %add3A_257, %dot_general3A_267 : vector<1225x256xf32>
    %slice3A_269 = vector.extract_strided_slice %concatenate3A_225 {offsets = [0, 1, 1, 0], sizes = [25, 7, 7, 256], strides = [1, 1, 1, 1]} : vector<25x9x9x256xf32> to vector<25x7x7x256xf32>
    %reshape3A_270 = vector.shape_cast %slice3A_269 : vector<25x7x7x256xf32> to vector<1225x256xf32>
    %get3A_271 = arith.constant 1 : index
    %get3A_272 = arith.constant 1 : index
    %get3A_273 = arith.constant 0 : index
    %get3A_274 = arith.constant 0 : index
    %get3A_275 = vector.load %arg5[%get3A_271, %get3A_272, %get3A_273, %get3A_274] : memref<3x3x256x256xf32, #tpu.memory_space<vmem>>, vector<1x1x256x256xf32>
    %get3A_276 = vector.shape_cast %get3A_275 : vector<1x1x256x256xf32> to vector<256x256xf32>
    %dot_general3A_277 = arith.constant dense<0.000000e+00> : vector<1225x256xf32>
    %dot_general3A_278 = tpu.matmul %reshape3A_270, %get3A_276, %dot_general3A_277 {dimension_numbers = #tpu.dot_dimension_numbers<[1], [0], [0], [1], [0, 0, 1, 1], [], []>, transpose_lhs_hint = false} : vector<1225x256xf32>, vector<256x256xf32>, vector<1225x256xf32> -> vector<1225x256xf32>
    %add3A_279 = arith.addf %add3A_268, %dot_general3A_278 : vector<1225x256xf32>
    %slice3A_280 = vector.extract_strided_slice %concatenate3A_225 {offsets = [0, 1, 2, 0], sizes = [25, 7, 7, 256], strides = [1, 1, 1, 1]} : vector<25x9x9x256xf32> to vector<25x7x7x256xf32>
    %reshape3A_281 = vector.shape_cast %slice3A_280 : vector<25x7x7x256xf32> to vector<1225x256xf32>
    %get3A_282 = arith.constant 1 : index
    %get3A_283 = arith.constant 2 : index
    %get3A_284 = arith.constant 0 : index
    %get3A_285 = arith.constant 0 : index
    %get3A_286 = vector.load %arg5[%get3A_282, %get3A_283, %get3A_284, %get3A_285] : memref<3x3x256x256xf32, #tpu.memory_space<vmem>>, vector<1x1x256x256xf32>
    %get3A_287 = vector.shape_cast %get3A_286 : vector<1x1x256x256xf32> to vector<256x256xf32>
    %dot_general3A_288 = arith.constant dense<0.000000e+00> : vector<1225x256xf32>
    %dot_general3A_289 = tpu.matmul %reshape3A_281, %get3A_287, %dot_general3A_288 {dimension_numbers = #tpu.dot_dimension_numbers<[1], [0], [0], [1], [0, 0, 1, 1], [], []>, transpose_lhs_hint = false} : vector<1225x256xf32>, vector<256x256xf32>, vector<1225x256xf32> -> vector<1225x256xf32>
    %add3A_290 = arith.addf %add3A_279, %dot_general3A_289 : vector<1225x256xf32>
    %slice3A_291 = vector.extract_strided_slice %concatenate3A_225 {offsets = [0, 2, 0, 0], sizes = [25, 7, 7, 256], strides = [1, 1, 1, 1]} : vector<25x9x9x256xf32> to vector<25x7x7x256xf32>
    %reshape3A_292 = vector.shape_cast %slice3A_291 : vector<25x7x7x256xf32> to vector<1225x256xf32>
    %get3A_293 = arith.constant 2 : index
    %get3A_294 = arith.constant 0 : index
    %get3A_295 = arith.constant 0 : index
    %get3A_296 = arith.constant 0 : index
    %get3A_297 = vector.load %arg5[%get3A_293, %get3A_294, %get3A_295, %get3A_296] : memref<3x3x256x256xf32, #tpu.memory_space<vmem>>, vector<1x1x256x256xf32>
    %get3A_298 = vector.shape_cast %get3A_297 : vector<1x1x256x256xf32> to vector<256x256xf32>
    %dot_general3A_299 = arith.constant dense<0.000000e+00> : vector<1225x256xf32>
    %dot_general3A_300 = tpu.matmul %reshape3A_292, %get3A_298, %dot_general3A_299 {dimension_numbers = #tpu.dot_dimension_numbers<[1], [0], [0], [1], [0, 0, 1, 1], [], []>, transpose_lhs_hint = false} : vector<1225x256xf32>, vector<256x256xf32>, vector<1225x256xf32> -> vector<1225x256xf32>
    %add3A_301 = arith.addf %add3A_290, %dot_general3A_300 : vector<1225x256xf32>
    %slice3A_302 = vector.extract_strided_slice %concatenate3A_225 {offsets = [0, 2, 1, 0], sizes = [25, 7, 7, 256], strides = [1, 1, 1, 1]} : vector<25x9x9x256xf32> to vector<25x7x7x256xf32>
    %reshape3A_303 = vector.shape_cast %slice3A_302 : vector<25x7x7x256xf32> to vector<1225x256xf32>
    %get3A_304 = arith.constant 2 : index
    %get3A_305 = arith.constant 1 : index
    %get3A_306 = arith.constant 0 : index
    %get3A_307 = arith.constant 0 : index
    %get3A_308 = vector.load %arg5[%get3A_304, %get3A_305, %get3A_306, %get3A_307] : memref<3x3x256x256xf32, #tpu.memory_space<vmem>>, vector<1x1x256x256xf32>
    %get3A_309 = vector.shape_cast %get3A_308 : vector<1x1x256x256xf32> to vector<256x256xf32>
    %dot_general3A_310 = arith.constant dense<0.000000e+00> : vector<1225x256xf32>
    %dot_general3A_311 = tpu.matmul %reshape3A_303, %get3A_309, %dot_general3A_310 {dimension_numbers = #tpu.dot_dimension_numbers<[1], [0], [0], [1], [0, 0, 1, 1], [], []>, transpose_lhs_hint = false} : vector<1225x256xf32>, vector<256x256xf32>, vector<1225x256xf32> -> vector<1225x256xf32>
    %add3A_312 = arith.addf %add3A_301, %dot_general3A_311 : vector<1225x256xf32>
    %slice3A_313 = vector.extract_strided_slice %concatenate3A_225 {offsets = [0, 2, 2, 0], sizes = [25, 7, 7, 256], strides = [1, 1, 1, 1]} : vector<25x9x9x256xf32> to vector<25x7x7x256xf32>
    %reshape3A_314 = vector.shape_cast %slice3A_313 : vector<25x7x7x256xf32> to vector<1225x256xf32>
    %get3A_315 = arith.constant 2 : index
    %get3A_316 = arith.constant 2 : index
    %get3A_317 = arith.constant 0 : index
    %get3A_318 = arith.constant 0 : index
    %get3A_319 = vector.load %arg5[%get3A_315, %get3A_316, %get3A_317, %get3A_318] : memref<3x3x256x256xf32, #tpu.memory_space<vmem>>, vector<1x1x256x256xf32>
    %get3A_320 = vector.shape_cast %get3A_319 : vector<1x1x256x256xf32> to vector<256x256xf32>
    %dot_general3A_321 = arith.constant dense<0.000000e+00> : vector<1225x256xf32>
    %dot_general3A_322 = tpu.matmul %reshape3A_314, %get3A_320, %dot_general3A_321 {dimension_numbers = #tpu.dot_dimension_numbers<[1], [0], [0], [1], [0, 0, 1, 1], [], []>, transpose_lhs_hint = false} : vector<1225x256xf32>, vector<256x256xf32>, vector<1225x256xf32> -> vector<1225x256xf32>
    %add3A_323 = arith.addf %add3A_312, %dot_general3A_322 : vector<1225x256xf32>
    %get3A_324 = arith.constant 0 : index
    %get3A_325 = arith.constant 0 : index
    %get3A_326 = vector.load %arg6[%get3A_324, %get3A_325] : memref<1x256xf32, #tpu.memory_space<vmem>>, vector<1x256xf32>
    %add3A_327 = vector.broadcast %get3A_326 : vector<1x256xf32> to vector<1225x256xf32>
    %add3A_328 = arith.addf %add3A_323, %add3A_327 : vector<1225x256xf32>
    %max3A_329 = arith.constant 0.000000e+00 : f32
    %max3A_330 = vector.broadcast %max3A_329 : f32 to vector<1225x256xf32>
    %max3A_331 = arith.maximumf %add3A_328, %max3A_330 : vector<1225x256xf32>
    %reshape3A_332 = vector.shape_cast %max3A_331 : vector<1225x256xf32> to vector<25x7x7x256xf32>
    %broadcast_in_dim3A_333 = arith.constant 0.000000e+00 : f32
    %broadcast_in_dim3A_334 = vector.broadcast %broadcast_in_dim3A_333 : f32 to vector<25x1x7x256xf32>
    %concatenate3A_335 = tpu.concatenate %broadcast_in_dim3A_334, %reshape3A_332, %broadcast_in_dim3A_334 in 1 : vector<25x1x7x256xf32>, vector<25x7x7x256xf32>, vector<25x1x7x256xf32> -> vector<25x9x7x256xf32>
    %broadcast_in_dim3A_336 = arith.constant 0.000000e+00 : f32
    %broadcast_in_dim3A_337 = vector.broadcast %broadcast_in_dim3A_336 : f32 to vector<25x9x1x256xf32>
    %concatenate3A_338 = tpu.concatenate %broadcast_in_dim3A_337, %concatenate3A_335, %broadcast_in_dim3A_337 in 2 : vector<25x9x1x256xf32>, vector<25x9x7x256xf32>, vector<25x9x1x256xf32> -> vector<25x9x9x256xf32>
    %slice3A_339 = vector.extract_strided_slice %concatenate3A_338 {offsets = [0, 0, 0, 0], sizes = [25, 7, 7, 256], strides = [1, 1, 1, 1]} : vector<25x9x9x256xf32> to vector<25x7x7x256xf32>
    %reshape3A_340 = vector.shape_cast %slice3A_339 : vector<25x7x7x256xf32> to vector<1225x256xf32>
    %get3A_341 = arith.constant 0 : index
    %get3A_342 = arith.constant 0 : index
    %get3A_343 = arith.constant 0 : index
    %get3A_344 = arith.constant 0 : index
    %get3A_345 = vector.load %arg7[%get3A_341, %get3A_342, %get3A_343, %get3A_344] : memref<3x3x256x256xf32, #tpu.memory_space<vmem>>, vector<1x1x256x256xf32>
    %get3A_346 = vector.shape_cast %get3A_345 : vector<1x1x256x256xf32> to vector<256x256xf32>
    %dot_general3A_347 = arith.constant dense<0.000000e+00> : vector<1225x256xf32>
    %dot_general3A_348 = tpu.matmul %reshape3A_340, %get3A_346, %dot_general3A_347 {dimension_numbers = #tpu.dot_dimension_numbers<[1], [0], [0], [1], [0, 0, 1, 1], [], []>, transpose_lhs_hint = false} : vector<1225x256xf32>, vector<256x256xf32>, vector<1225x256xf32> -> vector<1225x256xf32>
    %slice3A_349 = vector.extract_strided_slice %concatenate3A_338 {offsets = [0, 0, 1, 0], sizes = [25, 7, 7, 256], strides = [1, 1, 1, 1]} : vector<25x9x9x256xf32> to vector<25x7x7x256xf32>
    %reshape3A_350 = vector.shape_cast %slice3A_349 : vector<25x7x7x256xf32> to vector<1225x256xf32>
    %get3A_351 = arith.constant 0 : index
    %get3A_352 = arith.constant 1 : index
    %get3A_353 = arith.constant 0 : index
    %get3A_354 = arith.constant 0 : index
    %get3A_355 = vector.load %arg7[%get3A_351, %get3A_352, %get3A_353, %get3A_354] : memref<3x3x256x256xf32, #tpu.memory_space<vmem>>, vector<1x1x256x256xf32>
    %get3A_356 = vector.shape_cast %get3A_355 : vector<1x1x256x256xf32> to vector<256x256xf32>
    %dot_general3A_357 = arith.constant dense<0.000000e+00> : vector<1225x256xf32>
    %dot_general3A_358 = tpu.matmul %reshape3A_350, %get3A_356, %dot_general3A_357 {dimension_numbers = #tpu.dot_dimension_numbers<[1], [0], [0], [1], [0, 0, 1, 1], [], []>, transpose_lhs_hint = false} : vector<1225x256xf32>, vector<256x256xf32>, vector<1225x256xf32> -> vector<1225x256xf32>
    %add3A_359 = arith.addf %dot_general3A_348, %dot_general3A_358 : vector<1225x256xf32>
    %slice3A_360 = vector.extract_strided_slice %concatenate3A_338 {offsets = [0, 0, 2, 0], sizes = [25, 7, 7, 256], strides = [1, 1, 1, 1]} : vector<25x9x9x256xf32> to vector<25x7x7x256xf32>
    %reshape3A_361 = vector.shape_cast %slice3A_360 : vector<25x7x7x256xf32> to vector<1225x256xf32>
    %get3A_362 = arith.constant 0 : index
    %get3A_363 = arith.constant 2 : index
    %get3A_364 = arith.constant 0 : index
    %get3A_365 = arith.constant 0 : index
    %get3A_366 = vector.load %arg7[%get3A_362, %get3A_363, %get3A_364, %get3A_365] : memref<3x3x256x256xf32, #tpu.memory_space<vmem>>, vector<1x1x256x256xf32>
    %get3A_367 = vector.shape_cast %get3A_366 : vector<1x1x256x256xf32> to vector<256x256xf32>
    %dot_general3A_368 = arith.constant dense<0.000000e+00> : vector<1225x256xf32>
    %dot_general3A_369 = tpu.matmul %reshape3A_361, %get3A_367, %dot_general3A_368 {dimension_numbers = #tpu.dot_dimension_numbers<[1], [0], [0], [1], [0, 0, 1, 1], [], []>, transpose_lhs_hint = false} : vector<1225x256xf32>, vector<256x256xf32>, vector<1225x256xf32> -> vector<1225x256xf32>
    %add3A_370 = arith.addf %add3A_359, %dot_general3A_369 : vector<1225x256xf32>
    %slice3A_371 = vector.extract_strided_slice %concatenate3A_338 {offsets = [0, 1, 0, 0], sizes = [25, 7, 7, 256], strides = [1, 1, 1, 1]} : vector<25x9x9x256xf32> to vector<25x7x7x256xf32>
    %reshape3A_372 = vector.shape_cast %slice3A_371 : vector<25x7x7x256xf32> to vector<1225x256xf32>
    %get3A_373 = arith.constant 1 : index
    %get3A_374 = arith.constant 0 : index
    %get3A_375 = arith.constant 0 : index
    %get3A_376 = arith.constant 0 : index
    %get3A_377 = vector.load %arg7[%get3A_373, %get3A_374, %get3A_375, %get3A_376] : memref<3x3x256x256xf32, #tpu.memory_space<vmem>>, vector<1x1x256x256xf32>
    %get3A_378 = vector.shape_cast %get3A_377 : vector<1x1x256x256xf32> to vector<256x256xf32>
    %dot_general3A_379 = arith.constant dense<0.000000e+00> : vector<1225x256xf32>
    %dot_general3A_380 = tpu.matmul %reshape3A_372, %get3A_378, %dot_general3A_379 {dimension_numbers = #tpu.dot_dimension_numbers<[1], [0], [0], [1], [0, 0, 1, 1], [], []>, transpose_lhs_hint = false} : vector<1225x256xf32>, vector<256x256xf32>, vector<1225x256xf32> -> vector<1225x256xf32>
    %add3A_381 = arith.addf %add3A_370, %dot_general3A_380 : vector<1225x256xf32>
    %slice3A_382 = vector.extract_strided_slice %concatenate3A_338 {offsets = [0, 1, 1, 0], sizes = [25, 7, 7, 256], strides = [1, 1, 1, 1]} : vector<25x9x9x256xf32> to vector<25x7x7x256xf32>
    %reshape3A_383 = vector.shape_cast %slice3A_382 : vector<25x7x7x256xf32> to vector<1225x256xf32>
    %get3A_384 = arith.constant 1 : index
    %get3A_385 = arith.constant 1 : index
    %get3A_386 = arith.constant 0 : index
    %get3A_387 = arith.constant 0 : index
    %get3A_388 = vector.load %arg7[%get3A_384, %get3A_385, %get3A_386, %get3A_387] : memref<3x3x256x256xf32, #tpu.memory_space<vmem>>, vector<1x1x256x256xf32>
    %get3A_389 = vector.shape_cast %get3A_388 : vector<1x1x256x256xf32> to vector<256x256xf32>
    %dot_general3A_390 = arith.constant dense<0.000000e+00> : vector<1225x256xf32>
    %dot_general3A_391 = tpu.matmul %reshape3A_383, %get3A_389, %dot_general3A_390 {dimension_numbers = #tpu.dot_dimension_numbers<[1], [0], [0], [1], [0, 0, 1, 1], [], []>, transpose_lhs_hint = false} : vector<1225x256xf32>, vector<256x256xf32>, vector<1225x256xf32> -> vector<1225x256xf32>
    %add3A_392 = arith.addf %add3A_381, %dot_general3A_391 : vector<1225x256xf32>
    %slice3A_393 = vector.extract_strided_slice %concatenate3A_338 {offsets = [0, 1, 2, 0], sizes = [25, 7, 7, 256], strides = [1, 1, 1, 1]} : vector<25x9x9x256xf32> to vector<25x7x7x256xf32>
    %reshape3A_394 = vector.shape_cast %slice3A_393 : vector<25x7x7x256xf32> to vector<1225x256xf32>
    %get3A_395 = arith.constant 1 : index
    %get3A_396 = arith.constant 2 : index
    %get3A_397 = arith.constant 0 : index
    %get3A_398 = arith.constant 0 : index
    %get3A_399 = vector.load %arg7[%get3A_395, %get3A_396, %get3A_397, %get3A_398] : memref<3x3x256x256xf32, #tpu.memory_space<vmem>>, vector<1x1x256x256xf32>
    %get3A_400 = vector.shape_cast %get3A_399 : vector<1x1x256x256xf32> to vector<256x256xf32>
    %dot_general3A_401 = arith.constant dense<0.000000e+00> : vector<1225x256xf32>
    %dot_general3A_402 = tpu.matmul %reshape3A_394, %get3A_400, %dot_general3A_401 {dimension_numbers = #tpu.dot_dimension_numbers<[1], [0], [0], [1], [0, 0, 1, 1], [], []>, transpose_lhs_hint = false} : vector<1225x256xf32>, vector<256x256xf32>, vector<1225x256xf32> -> vector<1225x256xf32>
    %add3A_403 = arith.addf %add3A_392, %dot_general3A_402 : vector<1225x256xf32>
    %slice3A_404 = vector.extract_strided_slice %concatenate3A_338 {offsets = [0, 2, 0, 0], sizes = [25, 7, 7, 256], strides = [1, 1, 1, 1]} : vector<25x9x9x256xf32> to vector<25x7x7x256xf32>
    %reshape3A_405 = vector.shape_cast %slice3A_404 : vector<25x7x7x256xf32> to vector<1225x256xf32>
    %get3A_406 = arith.constant 2 : index
    %get3A_407 = arith.constant 0 : index
    %get3A_408 = arith.constant 0 : index
    %get3A_409 = arith.constant 0 : index
    %get3A_410 = vector.load %arg7[%get3A_406, %get3A_407, %get3A_408, %get3A_409] : memref<3x3x256x256xf32, #tpu.memory_space<vmem>>, vector<1x1x256x256xf32>
    %get3A_411 = vector.shape_cast %get3A_410 : vector<1x1x256x256xf32> to vector<256x256xf32>
    %dot_general3A_412 = arith.constant dense<0.000000e+00> : vector<1225x256xf32>
    %dot_general3A_413 = tpu.matmul %reshape3A_405, %get3A_411, %dot_general3A_412 {dimension_numbers = #tpu.dot_dimension_numbers<[1], [0], [0], [1], [0, 0, 1, 1], [], []>, transpose_lhs_hint = false} : vector<1225x256xf32>, vector<256x256xf32>, vector<1225x256xf32> -> vector<1225x256xf32>
    %add3A_414 = arith.addf %add3A_403, %dot_general3A_413 : vector<1225x256xf32>
    %slice3A_415 = vector.extract_strided_slice %concatenate3A_338 {offsets = [0, 2, 1, 0], sizes = [25, 7, 7, 256], strides = [1, 1, 1, 1]} : vector<25x9x9x256xf32> to vector<25x7x7x256xf32>
    %reshape3A_416 = vector.shape_cast %slice3A_415 : vector<25x7x7x256xf32> to vector<1225x256xf32>
    %get3A_417 = arith.constant 2 : index
    %get3A_418 = arith.constant 1 : index
    %get3A_419 = arith.constant 0 : index
    %get3A_420 = arith.constant 0 : index
    %get3A_421 = vector.load %arg7[%get3A_417, %get3A_418, %get3A_419, %get3A_420] : memref<3x3x256x256xf32, #tpu.memory_space<vmem>>, vector<1x1x256x256xf32>
    %get3A_422 = vector.shape_cast %get3A_421 : vector<1x1x256x256xf32> to vector<256x256xf32>
    %dot_general3A_423 = arith.constant dense<0.000000e+00> : vector<1225x256xf32>
    %dot_general3A_424 = tpu.matmul %reshape3A_416, %get3A_422, %dot_general3A_423 {dimension_numbers = #tpu.dot_dimension_numbers<[1], [0], [0], [1], [0, 0, 1, 1], [], []>, transpose_lhs_hint = false} : vector<1225x256xf32>, vector<256x256xf32>, vector<1225x256xf32> -> vector<1225x256xf32>
    %add3A_425 = arith.addf %add3A_414, %dot_general3A_424 : vector<1225x256xf32>
    %slice3A_426 = vector.extract_strided_slice %concatenate3A_338 {offsets = [0, 2, 2, 0], sizes = [25, 7, 7, 256], strides = [1, 1, 1, 1]} : vector<25x9x9x256xf32> to vector<25x7x7x256xf32>
    %reshape3A_427 = vector.shape_cast %slice3A_426 : vector<25x7x7x256xf32> to vector<1225x256xf32>
    %get3A_428 = arith.constant 2 : index
    %get3A_429 = arith.constant 2 : index
    %get3A_430 = arith.constant 0 : index
    %get3A_431 = arith.constant 0 : index
    %get3A_432 = vector.load %arg7[%get3A_428, %get3A_429, %get3A_430, %get3A_431] : memref<3x3x256x256xf32, #tpu.memory_space<vmem>>, vector<1x1x256x256xf32>
    %get3A_433 = vector.shape_cast %get3A_432 : vector<1x1x256x256xf32> to vector<256x256xf32>
    %dot_general3A_434 = arith.constant dense<0.000000e+00> : vector<1225x256xf32>
    %dot_general3A_435 = tpu.matmul %reshape3A_427, %get3A_433, %dot_general3A_434 {dimension_numbers = #tpu.dot_dimension_numbers<[1], [0], [0], [1], [0, 0, 1, 1], [], []>, transpose_lhs_hint = false} : vector<1225x256xf32>, vector<256x256xf32>, vector<1225x256xf32> -> vector<1225x256xf32>
    %add3A_436 = arith.addf %add3A_425, %dot_general3A_435 : vector<1225x256xf32>
    %get3A_437 = arith.constant 0 : index
    %get3A_438 = arith.constant 0 : index
    %get3A_439 = vector.load %arg8[%get3A_437, %get3A_438] : memref<1x256xf32, #tpu.memory_space<vmem>>, vector<1x256xf32>
    %add3A_440 = vector.broadcast %get3A_439 : vector<1x256xf32> to vector<1225x256xf32>
    %add3A_441 = arith.addf %add3A_436, %add3A_440 : vector<1225x256xf32>
    %max3A_442 = arith.constant 0.000000e+00 : f32
    %max3A_443 = vector.broadcast %max3A_442 : f32 to vector<1225x256xf32>
    %max3A_444 = arith.maximumf %add3A_441, %max3A_443 : vector<1225x256xf32>
    %reshape3A_445 = vector.shape_cast %max3A_444 : vector<1225x256xf32> to vector<25x7x7x256xf32>
    %broadcast_in_dim3A_446 = arith.constant 0.000000e+00 : f32
    %broadcast_in_dim3A_447 = vector.broadcast %broadcast_in_dim3A_446 : f32 to vector<25x1x7x256xf32>
    %concatenate3A_448 = tpu.concatenate %broadcast_in_dim3A_447, %reshape3A_445, %broadcast_in_dim3A_447 in 1 : vector<25x1x7x256xf32>, vector<25x7x7x256xf32>, vector<25x1x7x256xf32> -> vector<25x9x7x256xf32>
    %broadcast_in_dim3A_449 = arith.constant 0.000000e+00 : f32
    %broadcast_in_dim3A_450 = vector.broadcast %broadcast_in_dim3A_449 : f32 to vector<25x9x1x256xf32>
    %concatenate3A_451 = tpu.concatenate %broadcast_in_dim3A_450, %concatenate3A_448, %broadcast_in_dim3A_450 in 2 : vector<25x9x1x256xf32>, vector<25x9x7x256xf32>, vector<25x9x1x256xf32> -> vector<25x9x9x256xf32>
    %slice3A_452 = vector.extract_strided_slice %concatenate3A_451 {offsets = [0, 0, 0, 0], sizes = [25, 7, 7, 256], strides = [1, 1, 1, 1]} : vector<25x9x9x256xf32> to vector<25x7x7x256xf32>
    %reshape3A_453 = vector.shape_cast %slice3A_452 : vector<25x7x7x256xf32> to vector<1225x256xf32>
    %get3A_454 = arith.constant 0 : index
    %get3A_455 = arith.constant 0 : index
    %get3A_456 = arith.constant 0 : index
    %get3A_457 = arith.constant 0 : index
    %get3A_458 = vector.load %arg9[%get3A_454, %get3A_455, %get3A_456, %get3A_457] : memref<3x3x256x256xf32, #tpu.memory_space<vmem>>, vector<1x1x256x256xf32>
    %get3A_459 = vector.shape_cast %get3A_458 : vector<1x1x256x256xf32> to vector<256x256xf32>
    %dot_general3A_460 = arith.constant dense<0.000000e+00> : vector<1225x256xf32>
    %dot_general3A_461 = tpu.matmul %reshape3A_453, %get3A_459, %dot_general3A_460 {dimension_numbers = #tpu.dot_dimension_numbers<[1], [0], [0], [1], [0, 0, 1, 1], [], []>, transpose_lhs_hint = false} : vector<1225x256xf32>, vector<256x256xf32>, vector<1225x256xf32> -> vector<1225x256xf32>
    %slice3A_462 = vector.extract_strided_slice %concatenate3A_451 {offsets = [0, 0, 1, 0], sizes = [25, 7, 7, 256], strides = [1, 1, 1, 1]} : vector<25x9x9x256xf32> to vector<25x7x7x256xf32>
    %reshape3A_463 = vector.shape_cast %slice3A_462 : vector<25x7x7x256xf32> to vector<1225x256xf32>
    %get3A_464 = arith.constant 0 : index
    %get3A_465 = arith.constant 1 : index
    %get3A_466 = arith.constant 0 : index
    %get3A_467 = arith.constant 0 : index
    %get3A_468 = vector.load %arg9[%get3A_464, %get3A_465, %get3A_466, %get3A_467] : memref<3x3x256x256xf32, #tpu.memory_space<vmem>>, vector<1x1x256x256xf32>
    %get3A_469 = vector.shape_cast %get3A_468 : vector<1x1x256x256xf32> to vector<256x256xf32>
    %dot_general3A_470 = arith.constant dense<0.000000e+00> : vector<1225x256xf32>
    %dot_general3A_471 = tpu.matmul %reshape3A_463, %get3A_469, %dot_general3A_470 {dimension_numbers = #tpu.dot_dimension_numbers<[1], [0], [0], [1], [0, 0, 1, 1], [], []>, transpose_lhs_hint = false} : vector<1225x256xf32>, vector<256x256xf32>, vector<1225x256xf32> -> vector<1225x256xf32>
    %add3A_472 = arith.addf %dot_general3A_461, %dot_general3A_471 : vector<1225x256xf32>
    %slice3A_473 = vector.extract_strided_slice %concatenate3A_451 {offsets = [0, 0, 2, 0], sizes = [25, 7, 7, 256], strides = [1, 1, 1, 1]} : vector<25x9x9x256xf32> to vector<25x7x7x256xf32>
    %reshape3A_474 = vector.shape_cast %slice3A_473 : vector<25x7x7x256xf32> to vector<1225x256xf32>
    %get3A_475 = arith.constant 0 : index
    %get3A_476 = arith.constant 2 : index
    %get3A_477 = arith.constant 0 : index
    %get3A_478 = arith.constant 0 : index
    %get3A_479 = vector.load %arg9[%get3A_475, %get3A_476, %get3A_477, %get3A_478] : memref<3x3x256x256xf32, #tpu.memory_space<vmem>>, vector<1x1x256x256xf32>
    %get3A_480 = vector.shape_cast %get3A_479 : vector<1x1x256x256xf32> to vector<256x256xf32>
    %dot_general3A_481 = arith.constant dense<0.000000e+00> : vector<1225x256xf32>
    %dot_general3A_482 = tpu.matmul %reshape3A_474, %get3A_480, %dot_general3A_481 {dimension_numbers = #tpu.dot_dimension_numbers<[1], [0], [0], [1], [0, 0, 1, 1], [], []>, transpose_lhs_hint = false} : vector<1225x256xf32>, vector<256x256xf32>, vector<1225x256xf32> -> vector<1225x256xf32>
    %add3A_483 = arith.addf %add3A_472, %dot_general3A_482 : vector<1225x256xf32>
    %slice3A_484 = vector.extract_strided_slice %concatenate3A_451 {offsets = [0, 1, 0, 0], sizes = [25, 7, 7, 256], strides = [1, 1, 1, 1]} : vector<25x9x9x256xf32> to vector<25x7x7x256xf32>
    %reshape3A_485 = vector.shape_cast %slice3A_484 : vector<25x7x7x256xf32> to vector<1225x256xf32>
    %get3A_486 = arith.constant 1 : index
    %get3A_487 = arith.constant 0 : index
    %get3A_488 = arith.constant 0 : index
    %get3A_489 = arith.constant 0 : index
    %get3A_490 = vector.load %arg9[%get3A_486, %get3A_487, %get3A_488, %get3A_489] : memref<3x3x256x256xf32, #tpu.memory_space<vmem>>, vector<1x1x256x256xf32>
    %get3A_491 = vector.shape_cast %get3A_490 : vector<1x1x256x256xf32> to vector<256x256xf32>
    %dot_general3A_492 = arith.constant dense<0.000000e+00> : vector<1225x256xf32>
    %dot_general3A_493 = tpu.matmul %reshape3A_485, %get3A_491, %dot_general3A_492 {dimension_numbers = #tpu.dot_dimension_numbers<[1], [0], [0], [1], [0, 0, 1, 1], [], []>, transpose_lhs_hint = false} : vector<1225x256xf32>, vector<256x256xf32>, vector<1225x256xf32> -> vector<1225x256xf32>
    %add3A_494 = arith.addf %add3A_483, %dot_general3A_493 : vector<1225x256xf32>
    %slice3A_495 = vector.extract_strided_slice %concatenate3A_451 {offsets = [0, 1, 1, 0], sizes = [25, 7, 7, 256], strides = [1, 1, 1, 1]} : vector<25x9x9x256xf32> to vector<25x7x7x256xf32>
    %reshape3A_496 = vector.shape_cast %slice3A_495 : vector<25x7x7x256xf32> to vector<1225x256xf32>
    %get3A_497 = arith.constant 1 : index
    %get3A_498 = arith.constant 1 : index
    %get3A_499 = arith.constant 0 : index
    %get3A_500 = arith.constant 0 : index
    %get3A_501 = vector.load %arg9[%get3A_497, %get3A_498, %get3A_499, %get3A_500] : memref<3x3x256x256xf32, #tpu.memory_space<vmem>>, vector<1x1x256x256xf32>
    %get3A_502 = vector.shape_cast %get3A_501 : vector<1x1x256x256xf32> to vector<256x256xf32>
    %dot_general3A_503 = arith.constant dense<0.000000e+00> : vector<1225x256xf32>
    %dot_general3A_504 = tpu.matmul %reshape3A_496, %get3A_502, %dot_general3A_503 {dimension_numbers = #tpu.dot_dimension_numbers<[1], [0], [0], [1], [0, 0, 1, 1], [], []>, transpose_lhs_hint = false} : vector<1225x256xf32>, vector<256x256xf32>, vector<1225x256xf32> -> vector<1225x256xf32>
    %add3A_505 = arith.addf %add3A_494, %dot_general3A_504 : vector<1225x256xf32>
    %slice3A_506 = vector.extract_strided_slice %concatenate3A_451 {offsets = [0, 1, 2, 0], sizes = [25, 7, 7, 256], strides = [1, 1, 1, 1]} : vector<25x9x9x256xf32> to vector<25x7x7x256xf32>
    %reshape3A_507 = vector.shape_cast %slice3A_506 : vector<25x7x7x256xf32> to vector<1225x256xf32>
    %get3A_508 = arith.constant 1 : index
    %get3A_509 = arith.constant 2 : index
    %get3A_510 = arith.constant 0 : index
    %get3A_511 = arith.constant 0 : index
    %get3A_512 = vector.load %arg9[%get3A_508, %get3A_509, %get3A_510, %get3A_511] : memref<3x3x256x256xf32, #tpu.memory_space<vmem>>, vector<1x1x256x256xf32>
    %get3A_513 = vector.shape_cast %get3A_512 : vector<1x1x256x256xf32> to vector<256x256xf32>
    %dot_general3A_514 = arith.constant dense<0.000000e+00> : vector<1225x256xf32>
    %dot_general3A_515 = tpu.matmul %reshape3A_507, %get3A_513, %dot_general3A_514 {dimension_numbers = #tpu.dot_dimension_numbers<[1], [0], [0], [1], [0, 0, 1, 1], [], []>, transpose_lhs_hint = false} : vector<1225x256xf32>, vector<256x256xf32>, vector<1225x256xf32> -> vector<1225x256xf32>
    %add3A_516 = arith.addf %add3A_505, %dot_general3A_515 : vector<1225x256xf32>
    %slice3A_517 = vector.extract_strided_slice %concatenate3A_451 {offsets = [0, 2, 0, 0], sizes = [25, 7, 7, 256], strides = [1, 1, 1, 1]} : vector<25x9x9x256xf32> to vector<25x7x7x256xf32>
    %reshape3A_518 = vector.shape_cast %slice3A_517 : vector<25x7x7x256xf32> to vector<1225x256xf32>
    %get3A_519 = arith.constant 2 : index
    %get3A_520 = arith.constant 0 : index
    %get3A_521 = arith.constant 0 : index
    %get3A_522 = arith.constant 0 : index
    %get3A_523 = vector.load %arg9[%get3A_519, %get3A_520, %get3A_521, %get3A_522] : memref<3x3x256x256xf32, #tpu.memory_space<vmem>>, vector<1x1x256x256xf32>
    %get3A_524 = vector.shape_cast %get3A_523 : vector<1x1x256x256xf32> to vector<256x256xf32>
    %dot_general3A_525 = arith.constant dense<0.000000e+00> : vector<1225x256xf32>
    %dot_general3A_526 = tpu.matmul %reshape3A_518, %get3A_524, %dot_general3A_525 {dimension_numbers = #tpu.dot_dimension_numbers<[1], [0], [0], [1], [0, 0, 1, 1], [], []>, transpose_lhs_hint = false} : vector<1225x256xf32>, vector<256x256xf32>, vector<1225x256xf32> -> vector<1225x256xf32>
    %add3A_527 = arith.addf %add3A_516, %dot_general3A_526 : vector<1225x256xf32>
    %slice3A_528 = vector.extract_strided_slice %concatenate3A_451 {offsets = [0, 2, 1, 0], sizes = [25, 7, 7, 256], strides = [1, 1, 1, 1]} : vector<25x9x9x256xf32> to vector<25x7x7x256xf32>
    %reshape3A_529 = vector.shape_cast %slice3A_528 : vector<25x7x7x256xf32> to vector<1225x256xf32>
    %get3A_530 = arith.constant 2 : index
    %get3A_531 = arith.constant 1 : index
    %get3A_532 = arith.constant 0 : index
    %get3A_533 = arith.constant 0 : index
    %get3A_534 = vector.load %arg9[%get3A_530, %get3A_531, %get3A_532, %get3A_533] : memref<3x3x256x256xf32, #tpu.memory_space<vmem>>, vector<1x1x256x256xf32>
    %get3A_535 = vector.shape_cast %get3A_534 : vector<1x1x256x256xf32> to vector<256x256xf32>
    %dot_general3A_536 = arith.constant dense<0.000000e+00> : vector<1225x256xf32>
    %dot_general3A_537 = tpu.matmul %reshape3A_529, %get3A_535, %dot_general3A_536 {dimension_numbers = #tpu.dot_dimension_numbers<[1], [0], [0], [1], [0, 0, 1, 1], [], []>, transpose_lhs_hint = false} : vector<1225x256xf32>, vector<256x256xf32>, vector<1225x256xf32> -> vector<1225x256xf32>
    %add3A_538 = arith.addf %add3A_527, %dot_general3A_537 : vector<1225x256xf32>
    %slice3A_539 = vector.extract_strided_slice %concatenate3A_451 {offsets = [0, 2, 2, 0], sizes = [25, 7, 7, 256], strides = [1, 1, 1, 1]} : vector<25x9x9x256xf32> to vector<25x7x7x256xf32>
    %reshape3A_540 = vector.shape_cast %slice3A_539 : vector<25x7x7x256xf32> to vector<1225x256xf32>
    %get3A_541 = arith.constant 2 : index
    %get3A_542 = arith.constant 2 : index
    %get3A_543 = arith.constant 0 : index
    %get3A_544 = arith.constant 0 : index
    %get3A_545 = vector.load %arg9[%get3A_541, %get3A_542, %get3A_543, %get3A_544] : memref<3x3x256x256xf32, #tpu.memory_space<vmem>>, vector<1x1x256x256xf32>
    %get3A_546 = vector.shape_cast %get3A_545 : vector<1x1x256x256xf32> to vector<256x256xf32>
    %dot_general3A_547 = arith.constant dense<0.000000e+00> : vector<1225x256xf32>
    %dot_general3A_548 = tpu.matmul %reshape3A_540, %get3A_546, %dot_general3A_547 {dimension_numbers = #tpu.dot_dimension_numbers<[1], [0], [0], [1], [0, 0, 1, 1], [], []>, transpose_lhs_hint = false} : vector<1225x256xf32>, vector<256x256xf32>, vector<1225x256xf32> -> vector<1225x256xf32>
    %add3A_549 = arith.addf %add3A_538, %dot_general3A_548 : vector<1225x256xf32>
    %get3A_550 = arith.constant 0 : index
    %get3A_551 = arith.constant 0 : index
    %get3A_552 = vector.load %arg10[%get3A_550, %get3A_551] : memref<1x256xf32, #tpu.memory_space<vmem>>, vector<1x256xf32>
    %add3A_553 = vector.broadcast %get3A_552 : vector<1x256xf32> to vector<1225x256xf32>
    %add3A_554 = arith.addf %add3A_549, %add3A_553 : vector<1225x256xf32>
    %max3A_555 = arith.constant 0.000000e+00 : f32
    %max3A_556 = vector.broadcast %max3A_555 : f32 to vector<1225x256xf32>
    %max3A_557 = arith.maximumf %add3A_554, %max3A_556 : vector<1225x256xf32>
    %reshape3A_558 = vector.shape_cast %max3A_557 : vector<1225x256xf32> to vector<25x7x7x256xf32>
    %reshape3A_559 = vector.shape_cast %reshape3A_558 : vector<25x7x7x256xf32> to vector<1225x256xf32>
    %get3A_560 = arith.constant 0 : index
    %get3A_561 = arith.constant 0 : index
    %get3A_562 = arith.constant 0 : index
    %get3A_563 = arith.constant 0 : index
    %get3A_564 = vector.load %arg11[%get3A_560, %get3A_561, %get3A_562, %get3A_563] : memref<2x2x256x256xf32, #tpu.memory_space<vmem>>, vector<1x1x256x256xf32>
    %get3A_565 = vector.shape_cast %get3A_564 : vector<1x1x256x256xf32> to vector<256x256xf32>
    %dot_general3A_566 = arith.constant dense<0.000000e+00> : vector<1225x256xf32>
    %dot_general3A_567 = tpu.matmul %reshape3A_559, %get3A_565, %dot_general3A_566 {dimension_numbers = #tpu.dot_dimension_numbers<[1], [0], [0], [1], [0, 0, 1, 1], [], []>, transpose_lhs_hint = false} : vector<1225x256xf32>, vector<256x256xf32>, vector<1225x256xf32> -> vector<1225x256xf32>
    %get3A_568 = arith.constant 0 : index
    %get3A_569 = arith.constant 0 : index
    %get3A_570 = vector.load %arg12[%get3A_568, %get3A_569] : memref<1x256xf32, #tpu.memory_space<vmem>>, vector<1x256xf32>
    %add3A_571 = vector.broadcast %get3A_570 : vector<1x256xf32> to vector<1225x256xf32>
    %add3A_572 = arith.addf %dot_general3A_567, %add3A_571 : vector<1225x256xf32>
    %get3A_573 = arith.constant 0 : index
    %get3A_574 = arith.constant 0 : index
    %get3A_575 = vector.load %arg13[%get3A_573, %get3A_574] : memref<256x1xf32, #tpu.memory_space<vmem>>, vector<256x1xf32>
    %dot_general3A_576 = arith.constant dense<0.000000e+00> : vector<1225x1xf32>
    %dot_general3A_577 = tpu.matmul %add3A_572, %get3A_575, %dot_general3A_576 {dimension_numbers = #tpu.dot_dimension_numbers<[1], [0], [0], [1], [0, 0, 1, 1], [], []>, transpose_lhs_hint = false} : vector<1225x256xf32>, vector<256x1xf32>, vector<1225x1xf32> -> vector<1225x1xf32>
    %get3A_578 = arith.constant 0 : index
    %get3A_579 = arith.constant 0 : index
    %get3A_580 = vector.load %arg14[%get3A_578, %get3A_579] : memref<1x1xf32, #tpu.memory_space<vmem>>, vector<1x1xf32>
    %get3A_581 = vector.extract %get3A_580[0, 0] : f32 from vector<1x1xf32>
    %add3A_582 = vector.broadcast %get3A_581 : f32 to vector<1225x1xf32>
    %add3A_583 = arith.addf %dot_general3A_577, %add3A_582 : vector<1225x1xf32>
    %reshape3A_584 = vector.shape_cast %add3A_583 : vector<1225x1xf32> to vector<25x7x7xf32>
    %swap3A = arith.constant 0 : index
    %swap3A_585 = arith.constant 0 : index
    %swap3A_586 = arith.constant 0 : index
    %swap3A_587 = arith.constant 0 : index
    %swap3A_588 = vector.load %arg19[%swap3A, %swap3A_585, %swap3A_586, %swap3A_587] : memref<25x4x7x7xf32, #tpu.memory_space<vmem>>, vector<25x1x7x7xf32>
    %swap3A_589 = vector.shape_cast %swap3A_588 : vector<25x1x7x7xf32> to vector<25x7x7xf32>
    %swap3A_590 = vector.shape_cast %reshape3A_584 : vector<25x7x7xf32> to vector<25x1x7x7xf32>
    tpu.vector_store %arg19[%swap3A, %swap3A_585, %swap3A_586, %swap3A_587], %swap3A_590 {strides = array<i32>} : memref<25x4x7x7xf32, #tpu.memory_space<vmem>>, vector<25x1x7x7xf32>,
    %get3A_591 = arith.constant 0 : index
    %get3A_592 = arith.constant 0 : index
    %get3A_593 = arith.constant 0 : index
    %get3A_594 = arith.constant 0 : index
    %get3A_595 = vector.load %arg15[%get3A_591, %get3A_592, %get3A_593, %get3A_594] : memref<2x2x256x256xf32, #tpu.memory_space<vmem>>, vector<1x1x256x256xf32>
    %get3A_596 = vector.shape_cast %get3A_595 : vector<1x1x256x256xf32> to vector<256x256xf32>
    %dot_general3A_597 = arith.constant dense<0.000000e+00> : vector<1225x256xf32>
    %dot_general3A_598 = tpu.matmul %reshape3A_559, %get3A_596, %dot_general3A_597 {dimension_numbers = #tpu.dot_dimension_numbers<[1], [0], [0], [1], [0, 0, 1, 1], [], []>, transpose_lhs_hint = false} : vector<1225x256xf32>, vector<256x256xf32>, vector<1225x256xf32> -> vector<1225x256xf32>
    %get3A_599 = arith.constant 0 : index
    %get3A_600 = arith.constant 0 : index
    %get3A_601 = vector.load %arg16[%get3A_599, %get3A_600] : memref<1x256xf32, #tpu.memory_space<vmem>>, vector<1x256xf32>
    %add3A_602 = vector.broadcast %get3A_601 : vector<1x256xf32> to vector<1225x256xf32>
    %add3A_603 = arith.addf %dot_general3A_598, %add3A_602 : vector<1225x256xf32>
    %get3A_604 = arith.constant 0 : index
    %get3A_605 = arith.constant 0 : index
    %get3A_606 = vector.load %arg17[%get3A_604, %get3A_605] : memref<256x2xf32, #tpu.memory_space<vmem>>, vector<256x2xf32>
    %dot_general3A_607 = arith.constant dense<0.000000e+00> : vector<1225x2xf32>
    %dot_general3A_608 = tpu.matmul %add3A_603, %get3A_606, %dot_general3A_607 {dimension_numbers = #tpu.dot_dimension_numbers<[1], [0], [0], [1], [0, 0, 1, 1], [], []>, transpose_lhs_hint = false} : vector<1225x256xf32>, vector<256x2xf32>, vector<1225x2xf32> -> vector<1225x2xf32>
    %get3A_609 = arith.constant 0 : index
    %get3A_610 = arith.constant 0 : index
    %get3A_611 = vector.load %arg18[%get3A_609, %get3A_610] : memref<1x2xf32, #tpu.memory_space<vmem>>, vector<1x2xf32>
    %add3A_612 = vector.broadcast %get3A_611 : vector<1x2xf32> to vector<1225x2xf32>
    %add3A_613 = arith.addf %dot_general3A_608, %add3A_612 : vector<1225x2xf32>
    %reshape3A_614 = vector.shape_cast %add3A_613 : vector<1225x2xf32> to vector<25x7x7x2xf32>
    %swap3A_615 = arith.constant 0 : index
    %swap3A_616 = arith.constant 0 : index
    %swap3A_617 = arith.constant 0 : index
    %swap3A_618 = arith.constant 0 : index
    %swap3A_619 = arith.constant 0 : index
    %swap3A_620 = vector.load %arg20[%swap3A_615, %swap3A_616, %swap3A_617, %swap3A_618, %swap3A_619] : memref<25x4x7x7x2xf32, #tpu.memory_space<vmem>>, vector<25x1x7x7x2xf32>
    %swap3A_621 = vector.shape_cast %swap3A_620 : vector<25x1x7x7x2xf32> to vector<25x7x7x2xf32>
    %swap3A_622 = vector.shape_cast %reshape3A_614 : vector<25x7x7x2xf32> to vector<25x1x7x7x2xf32>
    tpu.vector_store %arg20[%swap3A_615, %swap3A_616, %swap3A_617, %swap3A_618, %swap3A_619], %swap3A_622 {strides = array<i32>} : memref<25x4x7x7x2xf32, #tpu.memory_space<vmem>>, vector<25x1x7x7x2xf32>,
    %get3A_623 = arith.constant 0 : index
    %get3A_624 = arith.constant 1 : index
    %get3A_625 = arith.constant 0 : index
    %get3A_626 = arith.constant 0 : index
    %get3A_627 = vector.load %arg11[%get3A_623, %get3A_624, %get3A_625, %get3A_626] : memref<2x2x256x256xf32, #tpu.memory_space<vmem>>, vector<1x1x256x256xf32>
    %get3A_628 = vector.shape_cast %get3A_627 : vector<1x1x256x256xf32> to vector<256x256xf32>
    %dot_general3A_629 = arith.constant dense<0.000000e+00> : vector<1225x256xf32>
    %dot_general3A_630 = tpu.matmul %reshape3A_559, %get3A_628, %dot_general3A_629 {dimension_numbers = #tpu.dot_dimension_numbers<[1], [0], [0], [1], [0, 0, 1, 1], [], []>, transpose_lhs_hint = false} : vector<1225x256xf32>, vector<256x256xf32>, vector<1225x256xf32> -> vector<1225x256xf32>
    %get3A_631 = arith.constant 0 : index
    %get3A_632 = arith.constant 0 : index
    %get3A_633 = vector.load %arg12[%get3A_631, %get3A_632] : memref<1x256xf32, #tpu.memory_space<vmem>>, vector<1x256xf32>
    %add3A_634 = vector.broadcast %get3A_633 : vector<1x256xf32> to vector<1225x256xf32>
    %add3A_635 = arith.addf %dot_general3A_630, %add3A_634 : vector<1225x256xf32>
    %get3A_636 = arith.constant 0 : index
    %get3A_637 = arith.constant 0 : index
    %get3A_638 = vector.load %arg13[%get3A_636, %get3A_637] : memref<256x1xf32, #tpu.memory_space<vmem>>, vector<256x1xf32>
    %dot_general3A_639 = arith.constant dense<0.000000e+00> : vector<1225x1xf32>
    %dot_general3A_640 = tpu.matmul %add3A_635, %get3A_638, %dot_general3A_639 {dimension_numbers = #tpu.dot_dimension_numbers<[1], [0], [0], [1], [0, 0, 1, 1], [], []>, transpose_lhs_hint = false} : vector<1225x256xf32>, vector<256x1xf32>, vector<1225x1xf32> -> vector<1225x1xf32>
    %get3A_641 = arith.constant 0 : index
    %get3A_642 = arith.constant 0 : index
    %get3A_643 = vector.load %arg14[%get3A_641, %get3A_642] : memref<1x1xf32, #tpu.memory_space<vmem>>, vector<1x1xf32>
    %get3A_644 = vector.extract %get3A_643[0, 0] : f32 from vector<1x1xf32>
    %add3A_645 = vector.broadcast %get3A_644 : f32 to vector<1225x1xf32>
    %add3A_646 = arith.addf %dot_general3A_640, %add3A_645 : vector<1225x1xf32>
    %reshape3A_647 = vector.shape_cast %add3A_646 : vector<1225x1xf32> to vector<25x7x7xf32>
    %swap3A_648 = arith.constant 0 : index
    %swap3A_649 = arith.constant 1 : index
    %swap3A_650 = arith.constant 0 : index
    %swap3A_651 = arith.constant 0 : index
    %swap3A_652 = vector.load %arg19[%swap3A_648, %swap3A_649, %swap3A_650, %swap3A_651] : memref<25x4x7x7xf32, #tpu.memory_space<vmem>>, vector<25x1x7x7xf32>
    %swap3A_653 = vector.shape_cast %swap3A_652 : vector<25x1x7x7xf32> to vector<25x7x7xf32>
    %swap3A_654 = vector.shape_cast %reshape3A_647 : vector<25x7x7xf32> to vector<25x1x7x7xf32>
    tpu.vector_store %arg19[%swap3A_648, %swap3A_649, %swap3A_650, %swap3A_651], %swap3A_654 {strides = array<i32>} : memref<25x4x7x7xf32, #tpu.memory_space<vmem>>, vector<25x1x7x7xf32>,
    %get3A_655 = arith.constant 0 : index
    %get3A_656 = arith.constant 1 : index
    %get3A_657 = arith.constant 0 : index
    %get3A_658 = arith.constant 0 : index
    %get3A_659 = vector.load %arg15[%get3A_655, %get3A_656, %get3A_657, %get3A_658] : memref<2x2x256x256xf32, #tpu.memory_space<vmem>>, vector<1x1x256x256xf32>
    %get3A_660 = vector.shape_cast %get3A_659 : vector<1x1x256x256xf32> to vector<256x256xf32>
    %dot_general3A_661 = arith.constant dense<0.000000e+00> : vector<1225x256xf32>
    %dot_general3A_662 = tpu.matmul %reshape3A_559, %get3A_660, %dot_general3A_661 {dimension_numbers = #tpu.dot_dimension_numbers<[1], [0], [0], [1], [0, 0, 1, 1], [], []>, transpose_lhs_hint = false} : vector<1225x256xf32>, vector<256x256xf32>, vector<1225x256xf32> -> vector<1225x256xf32>
    %get3A_663 = arith.constant 0 : index
    %get3A_664 = arith.constant 0 : index
    %get3A_665 = vector.load %arg16[%get3A_663, %get3A_664] : memref<1x256xf32, #tpu.memory_space<vmem>>, vector<1x256xf32>
    %add3A_666 = vector.broadcast %get3A_665 : vector<1x256xf32> to vector<1225x256xf32>
    %add3A_667 = arith.addf %dot_general3A_662, %add3A_666 : vector<1225x256xf32>
    %get3A_668 = arith.constant 0 : index
    %get3A_669 = arith.constant 0 : index
    %get3A_670 = vector.load %arg17[%get3A_668, %get3A_669] : memref<256x2xf32, #tpu.memory_space<vmem>>, vector<256x2xf32>
    %dot_general3A_671 = arith.constant dense<0.000000e+00> : vector<1225x2xf32>
    %dot_general3A_672 = tpu.matmul %add3A_667, %get3A_670, %dot_general3A_671 {dimension_numbers = #tpu.dot_dimension_numbers<[1], [0], [0], [1], [0, 0, 1, 1], [], []>, transpose_lhs_hint = false} : vector<1225x256xf32>, vector<256x2xf32>, vector<1225x2xf32> -> vector<1225x2xf32>
    %get3A_673 = arith.constant 0 : index
    %get3A_674 = arith.constant 0 : index
    %get3A_675 = vector.load %arg18[%get3A_673, %get3A_674] : memref<1x2xf32, #tpu.memory_space<vmem>>, vector<1x2xf32>
    %add3A_676 = vector.broadcast %get3A_675 : vector<1x2xf32> to vector<1225x2xf32>
    %add3A_677 = arith.addf %dot_general3A_672, %add3A_676 : vector<1225x2xf32>
    %reshape3A_678 = vector.shape_cast %add3A_677 : vector<1225x2xf32> to vector<25x7x7x2xf32>
    %swap3A_679 = arith.constant 0 : index
    %swap3A_680 = arith.constant 1 : index
    %swap3A_681 = arith.constant 0 : index
    %swap3A_682 = arith.constant 0 : index
    %swap3A_683 = arith.constant 0 : index
    %swap3A_684 = vector.load %arg20[%swap3A_679, %swap3A_680, %swap3A_681, %swap3A_682, %swap3A_683] : memref<25x4x7x7x2xf32, #tpu.memory_space<vmem>>, vector<25x1x7x7x2xf32>
    %swap3A_685 = vector.shape_cast %swap3A_684 : vector<25x1x7x7x2xf32> to vector<25x7x7x2xf32>
    %swap3A_686 = vector.shape_cast %reshape3A_678 : vector<25x7x7x2xf32> to vector<25x1x7x7x2xf32>
    tpu.vector_store %arg20[%swap3A_679, %swap3A_680, %swap3A_681, %swap3A_682, %swap3A_683], %swap3A_686 {strides = array<i32>} : memref<25x4x7x7x2xf32, #tpu.memory_space<vmem>>, vector<25x1x7x7x2xf32>,
    %get3A_687 = arith.constant 1 : index
    %get3A_688 = arith.constant 0 : index
    %get3A_689 = arith.constant 0 : index
    %get3A_690 = arith.constant 0 : index
    %get3A_691 = vector.load %arg11[%get3A_687, %get3A_688, %get3A_689, %get3A_690] : memref<2x2x256x256xf32, #tpu.memory_space<vmem>>, vector<1x1x256x256xf32>
    %get3A_692 = vector.shape_cast %get3A_691 : vector<1x1x256x256xf32> to vector<256x256xf32>
    %dot_general3A_693 = arith.constant dense<0.000000e+00> : vector<1225x256xf32>
    %dot_general3A_694 = tpu.matmul %reshape3A_559, %get3A_692, %dot_general3A_693 {dimension_numbers = #tpu.dot_dimension_numbers<[1], [0], [0], [1], [0, 0, 1, 1], [], []>, transpose_lhs_hint = false} : vector<1225x256xf32>, vector<256x256xf32>, vector<1225x256xf32> -> vector<1225x256xf32>
    %get3A_695 = arith.constant 0 : index
    %get3A_696 = arith.constant 0 : index
    %get3A_697 = vector.load %arg12[%get3A_695, %get3A_696] : memref<1x256xf32, #tpu.memory_space<vmem>>, vector<1x256xf32>
    %add3A_698 = vector.broadcast %get3A_697 : vector<1x256xf32> to vector<1225x256xf32>
    %add3A_699 = arith.addf %dot_general3A_694, %add3A_698 : vector<1225x256xf32>
    %get3A_700 = arith.constant 0 : index
    %get3A_701 = arith.constant 0 : index
    %get3A_702 = vector.load %arg13[%get3A_700, %get3A_701] : memref<256x1xf32, #tpu.memory_space<vmem>>, vector<256x1xf32>
    %dot_general3A_703 = arith.constant dense<0.000000e+00> : vector<1225x1xf32>
    %dot_general3A_704 = tpu.matmul %add3A_699, %get3A_702, %dot_general3A_703 {dimension_numbers = #tpu.dot_dimension_numbers<[1], [0], [0], [1], [0, 0, 1, 1], [], []>, transpose_lhs_hint = false} : vector<1225x256xf32>, vector<256x1xf32>, vector<1225x1xf32> -> vector<1225x1xf32>
    %get3A_705 = arith.constant 0 : index
    %get3A_706 = arith.constant 0 : index
    %get3A_707 = vector.load %arg14[%get3A_705, %get3A_706] : memref<1x1xf32, #tpu.memory_space<vmem>>, vector<1x1xf32>
    %get3A_708 = vector.extract %get3A_707[0, 0] : f32 from vector<1x1xf32>
    %add3A_709 = vector.broadcast %get3A_708 : f32 to vector<1225x1xf32>
    %add3A_710 = arith.addf %dot_general3A_704, %add3A_709 : vector<1225x1xf32>
    %reshape3A_711 = vector.shape_cast %add3A_710 : vector<1225x1xf32> to vector<25x7x7xf32>
    %swap3A_712 = arith.constant 0 : index
    %swap3A_713 = arith.constant 2 : index
    %swap3A_714 = arith.constant 0 : index
    %swap3A_715 = arith.constant 0 : index
    %swap3A_716 = vector.load %arg19[%swap3A_712, %swap3A_713, %swap3A_714, %swap3A_715] : memref<25x4x7x7xf32, #tpu.memory_space<vmem>>, vector<25x1x7x7xf32>
    %swap3A_717 = vector.shape_cast %swap3A_716 : vector<25x1x7x7xf32> to vector<25x7x7xf32>
    %swap3A_718 = vector.shape_cast %reshape3A_711 : vector<25x7x7xf32> to vector<25x1x7x7xf32>
    tpu.vector_store %arg19[%swap3A_712, %swap3A_713, %swap3A_714, %swap3A_715], %swap3A_718 {strides = array<i32>} : memref<25x4x7x7xf32, #tpu.memory_space<vmem>>, vector<25x1x7x7xf32>,
    %get3A_719 = arith.constant 1 : index
    %get3A_720 = arith.constant 0 : index
    %get3A_721 = arith.constant 0 : index
    %get3A_722 = arith.constant 0 : index
    %get3A_723 = vector.load %arg15[%get3A_719, %get3A_720, %get3A_721, %get3A_722] : memref<2x2x256x256xf32, #tpu.memory_space<vmem>>, vector<1x1x256x256xf32>
    %get3A_724 = vector.shape_cast %get3A_723 : vector<1x1x256x256xf32> to vector<256x256xf32>
    %dot_general3A_725 = arith.constant dense<0.000000e+00> : vector<1225x256xf32>
    %dot_general3A_726 = tpu.matmul %reshape3A_559, %get3A_724, %dot_general3A_725 {dimension_numbers = #tpu.dot_dimension_numbers<[1], [0], [0], [1], [0, 0, 1, 1], [], []>, transpose_lhs_hint = false} : vector<1225x256xf32>, vector<256x256xf32>, vector<1225x256xf32> -> vector<1225x256xf32>
    %get3A_727 = arith.constant 0 : index
    %get3A_728 = arith.constant 0 : index
    %get3A_729 = vector.load %arg16[%get3A_727, %get3A_728] : memref<1x256xf32, #tpu.memory_space<vmem>>, vector<1x256xf32>
    %add3A_730 = vector.broadcast %get3A_729 : vector<1x256xf32> to vector<1225x256xf32>
    %add3A_731 = arith.addf %dot_general3A_726, %add3A_730 : vector<1225x256xf32>
    %get3A_732 = arith.constant 0 : index
    %get3A_733 = arith.constant 0 : index
    %get3A_734 = vector.load %arg17[%get3A_732, %get3A_733] : memref<256x2xf32, #tpu.memory_space<vmem>>, vector<256x2xf32>
    %dot_general3A_735 = arith.constant dense<0.000000e+00> : vector<1225x2xf32>
    %dot_general3A_736 = tpu.matmul %add3A_731, %get3A_734, %dot_general3A_735 {dimension_numbers = #tpu.dot_dimension_numbers<[1], [0], [0], [1], [0, 0, 1, 1], [], []>, transpose_lhs_hint = false} : vector<1225x256xf32>, vector<256x2xf32>, vector<1225x2xf32> -> vector<1225x2xf32>
    %get3A_737 = arith.constant 0 : index
    %get3A_738 = arith.constant 0 : index
    %get3A_739 = vector.load %arg18[%get3A_737, %get3A_738] : memref<1x2xf32, #tpu.memory_space<vmem>>, vector<1x2xf32>
    %add3A_740 = vector.broadcast %get3A_739 : vector<1x2xf32> to vector<1225x2xf32>
    %add3A_741 = arith.addf %dot_general3A_736, %add3A_740 : vector<1225x2xf32>
    %reshape3A_742 = vector.shape_cast %add3A_741 : vector<1225x2xf32> to vector<25x7x7x2xf32>
    %swap3A_743 = arith.constant 0 : index
    %swap3A_744 = arith.constant 2 : index
    %swap3A_745 = arith.constant 0 : index
    %swap3A_746 = arith.constant 0 : index
    %swap3A_747 = arith.constant 0 : index
    %swap3A_748 = vector.load %arg20[%swap3A_743, %swap3A_744, %swap3A_745, %swap3A_746, %swap3A_747] : memref<25x4x7x7x2xf32, #tpu.memory_space<vmem>>, vector<25x1x7x7x2xf32>
    %swap3A_749 = vector.shape_cast %swap3A_748 : vector<25x1x7x7x2xf32> to vector<25x7x7x2xf32>
    %swap3A_750 = vector.shape_cast %reshape3A_742 : vector<25x7x7x2xf32> to vector<25x1x7x7x2xf32>
    tpu.vector_store %arg20[%swap3A_743, %swap3A_744, %swap3A_745, %swap3A_746, %swap3A_747], %swap3A_750 {strides = array<i32>} : memref<25x4x7x7x2xf32, #tpu.memory_space<vmem>>, vector<25x1x7x7x2xf32>,
    %get3A_751 = arith.constant 1 : index
    %get3A_752 = arith.constant 1 : index
    %get3A_753 = arith.constant 0 : index
    %get3A_754 = arith.constant 0 : index
    %get3A_755 = vector.load %arg11[%get3A_751, %get3A_752, %get3A_753, %get3A_754] : memref<2x2x256x256xf32, #tpu.memory_space<vmem>>, vector<1x1x256x256xf32>
    %get3A_756 = vector.shape_cast %get3A_755 : vector<1x1x256x256xf32> to vector<256x256xf32>
    %dot_general3A_757 = arith.constant dense<0.000000e+00> : vector<1225x256xf32>
    %dot_general3A_758 = tpu.matmul %reshape3A_559, %get3A_756, %dot_general3A_757 {dimension_numbers = #tpu.dot_dimension_numbers<[1], [0], [0], [1], [0, 0, 1, 1], [], []>, transpose_lhs_hint = false} : vector<1225x256xf32>, vector<256x256xf32>, vector<1225x256xf32> -> vector<1225x256xf32>
    %get3A_759 = arith.constant 0 : index
    %get3A_760 = arith.constant 0 : index
    %get3A_761 = vector.load %arg12[%get3A_759, %get3A_760] : memref<1x256xf32, #tpu.memory_space<vmem>>, vector<1x256xf32>
    %add3A_762 = vector.broadcast %get3A_761 : vector<1x256xf32> to vector<1225x256xf32>
    %add3A_763 = arith.addf %dot_general3A_758, %add3A_762 : vector<1225x256xf32>
    %get3A_764 = arith.constant 0 : index
    %get3A_765 = arith.constant 0 : index
    %get3A_766 = vector.load %arg13[%get3A_764, %get3A_765] : memref<256x1xf32, #tpu.memory_space<vmem>>, vector<256x1xf32>
    %dot_general3A_767 = arith.constant dense<0.000000e+00> : vector<1225x1xf32>
    %dot_general3A_768 = tpu.matmul %add3A_763, %get3A_766, %dot_general3A_767 {dimension_numbers = #tpu.dot_dimension_numbers<[1], [0], [0], [1], [0, 0, 1, 1], [], []>, transpose_lhs_hint = false} : vector<1225x256xf32>, vector<256x1xf32>, vector<1225x1xf32> -> vector<1225x1xf32>
    %get3A_769 = arith.constant 0 : index
    %get3A_770 = arith.constant 0 : index
    %get3A_771 = vector.load %arg14[%get3A_769, %get3A_770] : memref<1x1xf32, #tpu.memory_space<vmem>>, vector<1x1xf32>
    %get3A_772 = vector.extract %get3A_771[0, 0] : f32 from vector<1x1xf32>
    %add3A_773 = vector.broadcast %get3A_772 : f32 to vector<1225x1xf32>
    %add3A_774 = arith.addf %dot_general3A_768, %add3A_773 : vector<1225x1xf32>
    %reshape3A_775 = vector.shape_cast %add3A_774 : vector<1225x1xf32> to vector<25x7x7xf32>
    %swap3A_776 = arith.constant 0 : index
    %swap3A_777 = arith.constant 3 : index
    %swap3A_778 = arith.constant 0 : index
    %swap3A_779 = arith.constant 0 : index
    %swap3A_780 = vector.load %arg19[%swap3A_776, %swap3A_777, %swap3A_778, %swap3A_779] : memref<25x4x7x7xf32, #tpu.memory_space<vmem>>, vector<25x1x7x7xf32>
    %swap3A_781 = vector.shape_cast %swap3A_780 : vector<25x1x7x7xf32> to vector<25x7x7xf32>
    %swap3A_782 = vector.shape_cast %reshape3A_775 : vector<25x7x7xf32> to vector<25x1x7x7xf32>
    tpu.vector_store %arg19[%swap3A_776, %swap3A_777, %swap3A_778, %swap3A_779], %swap3A_782 {strides = array<i32>} : memref<25x4x7x7xf32, #tpu.memory_space<vmem>>, vector<25x1x7x7xf32>,
    %get3A_783 = arith.constant 1 : index
    %get3A_784 = arith.constant 1 : index
    %get3A_785 = arith.constant 0 : index
    %get3A_786 = arith.constant 0 : index
    %get3A_787 = vector.load %arg15[%get3A_783, %get3A_784, %get3A_785, %get3A_786] : memref<2x2x256x256xf32, #tpu.memory_space<vmem>>, vector<1x1x256x256xf32>
    %get3A_788 = vector.shape_cast %get3A_787 : vector<1x1x256x256xf32> to vector<256x256xf32>
    %dot_general3A_789 = arith.constant dense<0.000000e+00> : vector<1225x256xf32>
    %dot_general3A_790 = tpu.matmul %reshape3A_559, %get3A_788, %dot_general3A_789 {dimension_numbers = #tpu.dot_dimension_numbers<[1], [0], [0], [1], [0, 0, 1, 1], [], []>, transpose_lhs_hint = false} : vector<1225x256xf32>, vector<256x256xf32>, vector<1225x256xf32> -> vector<1225x256xf32>
    %get3A_791 = arith.constant 0 : index
    %get3A_792 = arith.constant 0 : index
    %get3A_793 = vector.load %arg16[%get3A_791, %get3A_792] : memref<1x256xf32, #tpu.memory_space<vmem>>, vector<1x256xf32>
    %add3A_794 = vector.broadcast %get3A_793 : vector<1x256xf32> to vector<1225x256xf32>
    %add3A_795 = arith.addf %dot_general3A_790, %add3A_794 : vector<1225x256xf32>
    %get3A_796 = arith.constant 0 : index
    %get3A_797 = arith.constant 0 : index
    %get3A_798 = vector.load %arg17[%get3A_796, %get3A_797] : memref<256x2xf32, #tpu.memory_space<vmem>>, vector<256x2xf32>
    %dot_general3A_799 = arith.constant dense<0.000000e+00> : vector<1225x2xf32>
    %dot_general3A_800 = tpu.matmul %add3A_795, %get3A_798, %dot_general3A_799 {dimension_numbers = #tpu.dot_dimension_numbers<[1], [0], [0], [1], [0, 0, 1, 1], [], []>, transpose_lhs_hint = false} : vector<1225x256xf32>, vector<256x2xf32>, vector<1225x2xf32> -> vector<1225x2xf32>
    %get3A_801 = arith.constant 0 : index
    %get3A_802 = arith.constant 0 : index
    %get3A_803 = vector.load %arg18[%get3A_801, %get3A_802] : memref<1x2xf32, #tpu.memory_space<vmem>>, vector<1x2xf32>
    %add3A_804 = vector.broadcast %get3A_803 : vector<1x2xf32> to vector<1225x2xf32>
    %add3A_805 = arith.addf %dot_general3A_800, %add3A_804 : vector<1225x2xf32>
    %reshape3A_806 = vector.shape_cast %add3A_805 : vector<1225x2xf32> to vector<25x7x7x2xf32>
    %swap3A_807 = arith.constant 0 : index
    %swap3A_808 = arith.constant 3 : index
    %swap3A_809 = arith.constant 0 : index
    %swap3A_810 = arith.constant 0 : index
    %swap3A_811 = arith.constant 0 : index
    %swap3A_812 = vector.load %arg20[%swap3A_807, %swap3A_808, %swap3A_809, %swap3A_810, %swap3A_811] : memref<25x4x7x7x2xf32, #tpu.memory_space<vmem>>, vector<25x1x7x7x2xf32>
    %swap3A_813 = vector.shape_cast %swap3A_812 : vector<25x1x7x7x2xf32> to vector<25x7x7x2xf32>
    %swap3A_814 = vector.shape_cast %reshape3A_806 : vector<25x7x7x2xf32> to vector<25x1x7x7x2xf32>
    tpu.vector_store %arg20[%swap3A_807, %swap3A_808, %swap3A_809, %swap3A_810, %swap3A_811], %swap3A_814 {strides = array<i32>} : memref<25x4x7x7x2xf32, #tpu.memory_space<vmem>>, vector<25x1x7x7x2xf32>,
    return
  }
  func.func @transform_0(%arg0: i32) -> (i32, i32, i32) {
    %c0_i32 = arith.constant 0 : i32
    %c0_i32_0 = arith.constant 0 : i32
    %c0_i32_1 = arith.constant 0 : i32
    return %arg0, %c0_i32, %c0_i32_0 : i32, i32, i32
  }
  func.func @transform_1(%arg0: i32) -> (i32, i32) {
    %c0_i32 = arith.constant 0 : i32
    %c0_i32_0 = arith.constant 0 : i32
    %c0_i32_1 = arith.constant 0 : i32
    return %c0_i32, %c0_i32_0 : i32, i32
  }
  func.func @transform_2(%arg0: i32) -> (i32, i32, i32, i32) {
    %c0_i32 = arith.constant 0 : i32
    %c0_i32_0 = arith.constant 0 : i32
    %c0_i32_1 = arith.constant 0 : i32
    %c0_i32_2 = arith.constant 0 : i32
    %c0_i32_3 = arith.constant 0 : i32
    return %c0_i32, %c0_i32_0, %c0_i32_1, %c0_i32_2 : i32, i32, i32, i32
  }
  func.func @transform_3(%arg0: i32) -> (i32, i32) {
    %c0_i32 = arith.constant 0 : i32
    %c0_i32_0 = arith.constant 0 : i32
    %c0_i32_1 = arith.constant 0 : i32
    return %c0_i32, %c0_i32_0 : i32, i32
  }
  func.func @transform_4(%arg0: i32) -> (i32, i32, i32, i32) {
    %c0_i32 = arith.constant 0 : i32
    %c0_i32_0 = arith.constant 0 : i32
    %c0_i32_1 = arith.constant 0 : i32
    %c0_i32_2 = arith.constant 0 : i32
    %c0_i32_3 = arith.constant 0 : i32
    return %c0_i32, %c0_i32_0, %c0_i32_1, %c0_i32_2 : i32, i32, i32, i32
  }
  func.func @transform_5(%arg0: i32) -> (i32, i32) {
    %c0_i32 = arith.constant 0 : i32
    %c0_i32_0 = arith.constant 0 : i32
    %c0_i32_1 = arith.constant 0 : i32
    return %c0_i32, %c0_i32_0 : i32, i32
  }
  func.func @transform_6(%arg0: i32) -> (i32, i32, i32, i32) {
    %c0_i32 = arith.constant 0 : i32
    %c0_i32_0 = arith.constant 0 : i32
    %c0_i32_1 = arith.constant 0 : i32
    %c0_i32_2 = arith.constant 0 : i32
    %c0_i32_3 = arith.constant 0 : i32
    return %c0_i32, %c0_i32_0, %c0_i32_1, %c0_i32_2 : i32, i32, i32, i32
  }
  func.func @transform_7(%arg0: i32) -> (i32, i32) {
    %c0_i32 = arith.constant 0 : i32
    %c0_i32_0 = arith.constant 0 : i32
    %c0_i32_1 = arith.constant 0 : i32
    return %c0_i32, %c0_i32_0 : i32, i32
  }
  func.func @transform_8(%arg0: i32) -> (i32, i32, i32, i32) {
    %c0_i32 = arith.constant 0 : i32
    %c0_i32_0 = arith.constant 0 : i32
    %c0_i32_1 = arith.constant 0 : i32
    %c0_i32_2 = arith.constant 0 : i32
    %c0_i32_3 = arith.constant 0 : i32
    return %c0_i32, %c0_i32_0, %c0_i32_1, %c0_i32_2 : i32, i32, i32, i32
  }
  func.func @transform_9(%arg0: i32) -> (i32, i32) {
    %c0_i32 = arith.constant 0 : i32
    %c0_i32_0 = arith.constant 0 : i32
    %c0_i32_1 = arith.constant 0 : i32
    return %c0_i32, %c0_i32_0 : i32, i32
  }
  func.func @transform_10(%arg0: i32) -> (i32, i32, i32, i32) {
    %c0_i32 = arith.constant 0 : i32
    %c0_i32_0 = arith.constant 0 : i32
    %c0_i32_1 = arith.constant 0 : i32
    %c0_i32_2 = arith.constant 0 : i32
    %c0_i32_3 = arith.constant 0 : i32
    return %c0_i32, %c0_i32_0, %c0_i32_1, %c0_i32_2 : i32, i32, i32, i32
  }
  func.func @transform_11(%arg0: i32) -> (i32, i32) {
    %c0_i32 = arith.constant 0 : i32
    %c0_i32_0 = arith.constant 0 : i32
    %c0_i32_1 = arith.constant 0 : i32
    return %c0_i32, %c0_i32_0 : i32, i32
  }
  func.func @transform_12(%arg0: i32) -> (i32, i32) {
    %c0_i32 = arith.constant 0 : i32
    %c0_i32_0 = arith.constant 0 : i32
    %c0_i32_1 = arith.constant 0 : i32
    return %c0_i32, %c0_i32_0 : i32, i32
  }
  func.func @transform_13(%arg0: i32) -> (i32, i32) {
    %c0_i32 = arith.constant 0 : i32
    %c0_i32_0 = arith.constant 0 : i32
    %c0_i32_1 = arith.constant 0 : i32
    return %c0_i32, %c0_i32_0 : i32, i32
  }
  func.func @transform_14(%arg0: i32) -> (i32, i32, i32, i32) {
    %c0_i32 = arith.constant 0 : i32
    %c0_i32_0 = arith.constant 0 : i32
    %c0_i32_1 = arith.constant 0 : i32
    %c0_i32_2 = arith.constant 0 : i32
    %c0_i32_3 = arith.constant 0 : i32
    return %c0_i32, %c0_i32_0, %c0_i32_1, %c0_i32_2 : i32, i32, i32, i32
  }
  func.func @transform_15(%arg0: i32) -> (i32, i32) {
    %c0_i32 = arith.constant 0 : i32
    %c0_i32_0 = arith.constant 0 : i32
    %c0_i32_1 = arith.constant 0 : i32
    return %c0_i32, %c0_i32_0 : i32, i32
  }
  func.func @transform_16(%arg0: i32) -> (i32, i32) {
    %c0_i32 = arith.constant 0 : i32
    %c0_i32_0 = arith.constant 0 : i32
    %c0_i32_1 = arith.constant 0 : i32
    return %c0_i32, %c0_i32_0 : i32, i32
  }
  func.func @transform_17(%arg0: i32) -> (i32, i32) {
    %c0_i32 = arith.constant 0 : i32
    %c0_i32_0 = arith.constant 0 : i32
    %c0_i32_1 = arith.constant 0 : i32
    return %c0_i32, %c0_i32_0 : i32, i32
  }
  func.func @transform_18(%arg0: i32) -> (i32, i32, i32, i32) {
    %c0_i32 = arith.constant 0 : i32
    %c0_i32_0 = arith.constant 0 : i32
    %c0_i32_1 = arith.constant 0 : i32
    %c0_i32_2 = arith.constant 0 : i32
    return %arg0, %c0_i32, %c0_i32_0, %c0_i32_1 : i32, i32, i32, i32
  }
  func.func @transform_19(%arg0: i32) -> (i32, i32, i32, i32, i32) {
    %c0_i32 = arith.constant 0 : i32
    %c0_i32_0 = arith.constant 0 : i32
    %c0_i32_1 = arith.constant 0 : i32
    %c0_i32_2 = arith.constant 0 : i32
    %c0_i32_3 = arith.constant 0 : i32
    return %arg0, %c0_i32, %c0_i32_0, %c0_i32_1, %c0_i32_2 : i32, i32, i32, i32, i32
  }
}

</mosaic_0001>

<sc_bundles>
// kernel: gather_offload_async_start
scs
__scs_entry_jumppad:
0x0: {  	(pc) =	sbr.rel $0x88, $3  }
0x1: {  	(tag) =	ssettag $0x0;
	lr =	simm.s32 $0x1  }
0x2: {  	[smem:$0x3F8F] =	sst lr;
	_ =	strace $0xD0000000  }
0x3: {  	_ = 	snop  }
0x4: {  	_ = 	snop  }
0x5: {  	_ = 	snop  }
0x6: {  	_ = 	snop  }
0x7: {  	_ = 	snop  }
__scs_overlays_trampoline_lowered:
0x8: {  	[smem:$0x3F9E] =	sst s0  }
0x9: {  	[smem:$0x3F9F] =	sst s1  }
0xa: {  	[smem:$0x3FA0] =	sst s2  }
0xb: {  	[smem:$0x3FA1] =	sst s3  }
0xc: {  	[smem:$0x3FA2] =	sst s4  }
0xd: {  	[smem:$0x3FA3] =	sst s5  }
0xe: {  	[smem:$0x3FA4] =	sst s6  }
0xf: {  	[smem:$0x3FA5] =	sst s7  }
0x10: {  	[smem:$0x3FA6] =	sst s8  }
0x11: {  	[smem:$0x3FA7] =	sst s9;
	s0 =	simm.s32 @!p0 $0x0  }
0x12: {  	s1 =	sld [smem:$0x3F8D];
	s0 =	simm.s32 @p0 $0x1  }
0x13: {  	[smem:$0x3FA8] =	sst s0;
	s0 =	simm.s32 @!p1 $0x0  }
0x14: {  	s2 =	sld [smem:$0x3F8C];
	s0 =	simm.s32 @p1 $0x1  }
0x15: {  	[smem:$0x3FA9] =	sst s0;
	s0 =	simm.s32 @!p2 $0x0  }
0x16: {  	s3 =	sld [smem:$0x3FDB];
	s0 =	simm.s32 @p2 $0x1  }
0x17: {  	s4 =	simm.s32 $0x1BF5;
	[smem:$0x3FAB] =	sst s0  }
0x18: {  	s0 =	sld [smem:$0x3F8E];
	_ =	swait.ge [sflag:s4], $0x0  }
0x19: {  	s7 =	sld [smem:$0x3F8F]  }
0x1a: {  	s8 =	sadd.s32 $0xFFFFE003, lr  }
0x1b: {  	s9 =	sadd.s32 $0xFFFFFEF7, lr;
	s5 =	simm.s32 $0xFFFFFFFF;
	p2 =	slt.u32 s8, $0xFFFFF086  }
0x1c: {  	p1 =	slt.u32 s9, $0xF7A;
	s5 =	simm.s32 @!p2 $0x0  }
0x1d: {  	s5 =	simm.s32 @p1 $0x1;
	p0 =	seq.s32 s7, s2  }
0x1e: {  	s7 =	smul.u32 @!p0 $0xF7A, s2;
	p2 =	seq.s32 @!p0 s5, $0x0  }
0x1f: {  	s9 =	smul.u32 $0xF7A, s1;
	s8 =	simm.s32 @!p0 $0x1BF5;
	p2 =	por !p2, p0  }
0x20: {  	[sflag:s8] =	ssyncset.s32 @!p0 $0xFFFFF086;
	s6 =	sadd.s32 @!p0 s3, s7;
	s7 =	simm.s32 @!p0 $0x108  }
0x21: {  	s3 =	sadd.s32 s3, s9;
	s6 =	sadd.s32 @!p0 $0x88, s6;
	s7 =	simm.s32 @p2 $0x1082  }
0x22: {  	[simem:s7], [sflag:s8] =	dma.local @!p0 [hbm:s6], $0xF7A  }
0x23: {  	s9 =	sor.u32 $0xD0000000, s2;
	s6 =	simm.s32 $0x108;
	_ =	swait.ge @!p0 [sflag:s8], $0x0  }
0x24: {  	s3 =	sadd.s32 $0x88, s3;
	s6 =	simm.s32 @!p1 $0x1082;
	[sflag:s4] =	ssyncset.s32 $0xFFFFF086  }
0x25: {  	[simem:s6], [sflag:s4] =	dma.local [hbm:s3], $0xF7A  }
0x26: {  	[smem:$0x3F8F] =	sst s1;
	(tag) =	ssettag s2;
	_ =	strace s9  }
0x27: {  	s1 =	sld [smem:$0x3F9F]  }
0x28: {  	s2 =	sld [smem:$0x3FA0]  }
0x29: {  	s4 =	sld [smem:$0x3FA2]  }
0x2a: {  	p0 =	seq.s32 s5, $0x0;
	s5 =	sld [smem:$0x3FA3]  }
0x2b: {  	s6 =	sld [smem:$0x3FA4]  }
0x2c: {  	s7 =	sld [smem:$0x3FA5]  }
0x2d: {  	s3 =	simm.s32 $0x108;
	s8 =	sld [smem:$0x3FA6]  }
0x2e: {  	s3 =	simm.s32 @!p0 $0x1082;
	s9 =	sld [smem:$0x3FA7]  }
0x2f: {  	lr =	sadd.s32 s0, s3;
	s0 =	sld [smem:$0x3F9E]  }
0x30: {  	s3 =	sld [smem:$0x3FA1]  }
0x31: {  	[smem:$0x3FAA] =	sst s10  }
0x32: {  	s10 =	sld [smem:$0x3FA8];
	_ =	sdelay $0x3  }
0x33: {  	p0 =	seq.s32 s10, $0x1;
	s10 =	sld [smem:$0x3FAA];
	_ =	sdelay $0x3  }
0x34: {  	[smem:$0x3FAA] =	sst s10  }
0x35: {  	s10 =	sld [smem:$0x3FA9];
	_ =	sdelay $0x3  }
0x36: {  	p1 =	seq.s32 s10, $0x1;
	s10 =	sld [smem:$0x3FAA];
	_ =	sdelay $0x3  }
0x37: {  	[smem:$0x3FAA] =	sst s10  }
0x38: {  	s10 =	sld [smem:$0x3FAB]  }
0x39: {  	_ = 	snop;
	(pc) =	sbr.ind lr, $3  }
0x3a: {  	_ = 	snop  }
0x3b: {  	_ = 	snop  }
0x3c: {  	p2 =	seq.s32 s10, $0x1;
	s10 =	sld [smem:$0x3FAA]  }
0x3d: {  	_ =	shalt  }
0x3e: {  	_ =	shalt  }
0x3f: {  	_ =	shalt  }
0x40: {  	_ =	shalt  }
0x41: {  	_ =	shalt  }
0x42: {  	_ =	shalt  }
0x43: {  	_ =	shalt  }
0x44: {  	_ =	shalt  }
0x45: {  	_ =	shalt  }
0x46: {  	_ =	shalt  }
0x47: {  	_ =	shalt  }
0x48: {  	_ =	shalt  }
0x49: {  	_ =	shalt  }
0x4a: {  	_ =	shalt  }
0x4b: {  	_ =	shalt  }
0x4c: {  	_ =	shalt  }
0x4d: {  	_ =	shalt  }
0x4e: {  	_ =	shalt  }
0x4f: {  	_ =	shalt  }
0x50: {  	_ =	shalt  }
0x51: {  	_ =	shalt  }
0x52: {  	_ =	shalt  }
0x53: {  	_ =	shalt  }
0x54: {  	_ =	shalt  }
0x55: {  	_ =	shalt  }
0x56: {  	_ =	shalt  }
0x57: {  	_ =	shalt  }
0x58: {  	_ =	shalt  }
0x59: {  	_ =	shalt  }
0x5a: {  	_ =	shalt  }
0x5b: {  	_ =	shalt  }
0x5c: {  	_ =	shalt  }
0x5d: {  	_ =	shalt  }
0x5e: {  	_ =	shalt  }
0x5f: {  	_ =	shalt  }
0x60: {  	_ =	shalt  }
0x61: {  	_ =	shalt  }
0x62: {  	_ =	shalt  }
0x63: {  	_ =	shalt  }
0x64: {  	_ =	shalt  }
0x65: {  	_ =	shalt  }
0x66: {  	_ =	shalt  }
0x67: {  	_ =	shalt  }
0x68: {  	_ =	shalt  }
0x69: {  	_ =	shalt  }
0x6a: {  	_ =	shalt  }
0x6b: {  	_ =	shalt  }
0x6c: {  	_ =	shalt  }
0x6d: {  	_ =	shalt  }
0x6e: {  	_ =	shalt  }
0x6f: {  	_ =	shalt  }
0x70: {  	_ =	shalt  }
0x71: {  	_ =	shalt  }
0x72: {  	_ =	shalt  }
0x73: {  	_ =	shalt  }
0x74: {  	_ =	shalt  }
0x75: {  	_ =	shalt  }
0x76: {  	_ =	shalt  }
0x77: {  	_ =	shalt  }
0x78: {  	_ =	shalt  }
0x79: {  	_ =	shalt  }
0x7a: {  	_ =	shalt  }
0x7b: {  	_ =	shalt  }
0x7c: {  	_ =	shalt  }
0x7d: {  	_ =	shalt  }
0x7e: {  	_ =	shalt  }
0x7f: {  	_ =	shalt  }
0x80: {  	_ =	shalt  }
0x81: {  	_ =	shalt  }
0x82: {  	_ =	shalt  }
0x83: {  	_ =	shalt  }
0x84: {  	_ =	shalt  }
0x85: {  	_ =	shalt  }
0x86: {  	_ =	shalt  }
0x87: {  	_ =	shalt  }
.Lfunc_end0:
.L_simem_size_0:
called_computation_lowered:
.L_overlay_start_0:
0x88: {  	s0 =	sld [smem:$0x3FD9]  }
0x89: {  	s1 =	sld [smem:$0x3FFE];
	_ =	sdelay $0x3  }
0x8a: {  	s0 =	sadd.s32 s1, s0  }
0x8b: {  	[smem:$0x3FB6] =	sst s0  }
0x8c: {  	_ = 	snop  }
0x8d: {  	s0 =	sld [smem:$0x3FD0];
	_ =	sdelay $0x2  }
0x8e: {  	s13 =	simm.s32 $0xA;
	s2 =	simm.s32 $0x10  }
0x8f: {  	[smem:s2], [sflag:s13] =	dma.local [hbm:s0], $0x1  }
0x90: {  	_ =	swait.eq [sflag:s13], $0x1  }
0x91: {  	[sflag:s13] =	ssyncset.done $0x0  }
0x92: {  	[sflag:s13] =	ssyncadd.s32 $0xFFFFFFFF  }
0x93: {  	s14 =	sld [smem:$0x11];
	(tm) =	ssettm $0x1  }
0x94: {  	s15 =	sld [smem:$0x3FFB];
	_ =	sdelay $0x3  }
0x95: {  	_ =	strace s15  }
0x96: {  	s1 =	sld [smem:$0x3FFC];
	_ =	sdelay $0x3  }
0x97: {  	_ =	strace s1  }
0x98: {  	s1 =	sld [smem:$0x3FFD];
	_ =	sdelay $0x3  }
0x99: {  	_ =	strace s1  }
0x9a: {  	_ =	strace $0x8FFFFFFF  }
0x9b: {  	s16 =	sld [smem:$0x3FDB];
	_ =	sdelay $0x1  }
0x9c: {  	s17 =	simm.s32 $_scs_section_size  }
0x9d: {  	s3 =	simm.s32 $_size__tile_overlayer_lowered;
	s4 =	simm.s32 $_tile_overlayer_lowered  }
0x9e: {  	s20 =	simm.s32 $0x1BFF;
	s19 =	sshll.u32 s4, $0x1;
	s1 =	sadd.s32 s17, s16  }
0x9f: {  	s5 =	simm.s32 $0x0;
	s18 =	sshll.u32 s3, $0x1;
	s3 =	sadd.s32 s19, s1  }
0xa0: {  	[timem:s5], [sflag:s20] =	dma.local [hbm:s3], s18  }
0xa1: {  	_ =	swait.ge [sflag:s20], s18  }
0xa2: {  	s2 =	ssub.s32 $0x0, s18;
	[sflag:s20] =	ssyncset.done $0x0  }
0xa3: {  	[sflag:s20] =	ssyncadd.s32 s2;
	_ =	sdelay $0x1  }
0xa4: {  	s21 =	simm.s32 $0x1B8B  }
0xa5: {  	_ =	swait.ge [sflag:s21], $0x1  }
0xa6: {  	[sflag:s21] =	ssyncset.done $0x0  }
0xa7: {  	s23 =	simm.s32 $0x1B8E;
	s22 =	sld [smem:$0x3FFE];
	[sflag:s21] =	ssyncadd.s32 $0xFFFFFFFF  }
0xa8: {  	s24 =	simm.s32 $execute0_lowered;
	[smem:$0x3FD2] =	sst s23  }
0xa9: {  	s3 =	sshll.u32 s24, $0x1;
	_ =	strace $0x80000046;
	[dreg:$0x1] =	wrdreg $0xFFFFFFFF  }
0xaa: {  	s25 =	simm.s32 $_size_execute0_lowered;
	s1 =	sadd.s32 s1, s3;
	[dreg:$0x0] =	wrdreg $0x0  }
0xab: {  	s3 =	sshll.u32 s25, $0x1;
	[dreg:$0x2] =	wrdreg s1  }
0xac: {  	[dreg:$0x3] =	wrdreg s3  }
0xad: {  	[dreg:$0x4] =	wrdreg $0xC0  }
0xae: {  	_ =	task [dreg:s5], $0x5FFFF  }
0xaf: {  	[dreg:$0x1] =	wrdreg $0xFFFFFFFF  }
0xb0: {  	[dreg:$0x0] =	wrdreg $0x60  }
0xb1: {  	[dreg:$0x2] =	wrdreg s22  }
0xb2: {  	[dreg:$0x3] =	wrdreg s14  }
0xb3: {  	[dreg:$0x4] =	wrdreg $0x9  }
0xb4: {  	_ =	task.clear_ibuf [dreg:s5], $0x5FFFF;
	_ =	strace $0x90000046  }
0xb5: {  	s26 =	simm.s32 $0x9;
	_ =	strace $0x80000048  }
0xb6: {  	_ =	swait.ge [sflag:s26], $0x1  }
0xb7: {  	[sflag:s26] =	ssyncadd.s32 $0xFFFFFFFF  }
0xb8: {  	_ =	strace $0x90000048  }
0xb9: {  	_ =	sfence  }
0xba: {  	s28 =	sld [smem:$0x0];
	_ =	sdelay $0x1  }
0xbb: {  	s29 =	srdreg.scid  }
0xbc: {  	s30 =	sshll.u32 s29, $0xD;
	s31 =	sshrl.u32 s29, $0x2  }
0xbd: {  	s2 =	sand.u32 $0x4000, s30;
	s1 =	sand.u32 $0x1, s29;
	s0 =	sadd.s32 s31, s28  }
0xbe: {  	s1 =	sor.u32 s2, s1;
	s0 =	sshll.u32 s0, $0x11  }
0xbf: {  	s0 =	sor.u32 s0, s1  }
0xc0: {  	s0 =	sadd.s32 $0x8F2B, s0  }
0xc1: {  	[sflag:s0] =	ssyncadd.remote.s32 $0x1  }
0xc2: {  	_ =	sfence.sel $0xFFFF  }
0xc3: {  	[dreg:$0x0] =	wrdreg $0xFFFFFFFF;
	(pc) =	sbr.abs _section_cstart, $3  }
0xc4: {  	[dreg:$0x1] =	wrdreg $0xFFFFFFFF  }
0xc5: {  	_ =	task.clear_ibuf [dreg:s5], $0x2FFFF;
	_ =	strace $0x9FFFFFFF  }
0xc6: {  	(tm) =	ssettm $0x7FFFFFFF  }
0xc7: {  	_ =	shalt  }
tec
execute0_lowered:
.L_overlay_start_1:
0x0: {  	(tag) =	ssettag $0x1  }
0x1: {  	s0 =	stileid.u32  }
0x2: {  	s1 =	smin.u32 s0, $0x9  }
0x3: {  	s1 =	sadd.s32 s0, s1  }
0x4: {  	s2 =	simm.s32 $0x190;
	p0 =	slt.u32 s0, $0x9;
	s1 =	smul.u32 $0xC8, s1  }
0x5: {  	s2 =	simm.s32 @!p0 $0xC8  }
0x6: {  	s2 =	sadd.s32 s2, s1  }
0x7: {  	s3 =	smin.u32 s2, $0x1388  }
0x8: {  	s7 =	ssub.s32 s3, s1  }
0x9: {  	p0 =	sgt.s32 s7, $0x0  }
0xa: {  	s7 =	simm.s32 @!p0 $0x0  }
0xb: {  	s31 =	sand.u32 $0xFFF8, s7  }
0xc: {  	s2 =	sshrl.u32 s31, $0x3  }
0xd: {  	s4 =	rddreg [dreg:$0x0];
	s2 =	smul.u32 $0x147B, s2  }
0xe: {  	s5 =	rddreg [dreg:$0x1]  }
0xf: {  	s6 =	simm.s32 $0x1;
	s10 =	simm.s32 $0x3;
	s8 =	sshrl.u32 s2, $0x11  }
0x10: {  	s13 =	simm.s32 $0x0;
	s12 =	simm.s32 $0x0;
	s9 =	smul.u32 $0xC8, s8  }
.Ltmp0:
0x11: {  	s11 =	smov.u32 s1;
	s2 =	rddreg [dreg:$0x2];
	(pc) =	sbr.rel .LBB2_1-.Ltmp0, $4  }
0x12: {  	_ =	strace $0x80000047;
	p0 =	sne.s32 s7, s9;
	s9 =	simm.s32 $0x1  }
0x13: {  	[sflag:s6] =	ssyncpa.u1 $0x0;
	s7 =	simm.s32 $0x2;
	s9 =	simm.s32 @!p0 $0x0  }
0x14: {  	[sflag:s7] =	ssyncpa.u1 $0x0;
	p0 =	por $0x0, $0x0;
	s8 =	sadd.s32 s8, s9  }
0x15: {  	vm0 =	vmmov $0xff;
	vm1 =	vcmask $0x3F20;
	s9 =	sadd.s32 $0x13A00, s4;
	[sflag:s10] =	ssyncpa.u1 $0x0;
	s10 =	sadd.s32 $0x1, s8  }
.LBB2_6:
0x16: {  	[hbm:s17] =	stream.linear.scatter [tilespmem:s14], [sflag:$0x3], $0x400, $0x38;
	[tilespmem:$0xC990] =	vst v63  }
.LBB2_7:
0x17: {  	s13 =	sadd.s32 $0xC8, s11  }
0x18: {  	s15 =	smov.u32 s1;
	p2 =	slt.s32 s13, s3  }
0x19: {  	s15 =	smov.u32 @p2 s13;
	p2 =	sne.s32 s12, s10  }
.Ltmp1:
0x1a: {  	p1 =	slt.u32 s12, $0x2;
	(pc) =	sbr.rel @!p2 .LBB2_8-.Ltmp1, $4  }
0x1b: {  	s14 =	simm.s32 @!p1 $0x3  }
0x1c: {  	s16 =	sadd.s32 $0x1, s12;
	_ =	swait.ge @!p1 [sflag:s14], $0x6400  }
0x1d: {  	p0 =	por !p0, !p0;
	s13 =	smov.u32 s11;
	[sflag:s14] =	ssyncset.done @!p1 $0x0  }
0x1e: {  	s12 =	smov.u32 s16;
	s11 =	smov.u32 s15;
	[sflag:s14] =	ssyncadd.s32 @!p1 $0xFFFF9C00  }
.LBB2_1:
0x1f: {  	p1 =	sge.u32 s12, s8  }
0x20: {  	s14 =	sxor.u32 @!p1 $0xFFFFFFFF, s12  }
0x21: {  	s14 =	sand.u32 @!p1 $0x1, s14  }
0x22: {  	s14 =	smul.u32 @!p1 $0x320, s14  }
0x23: {  	s31 =	sadd.s32 $0xFFFFFFFF, s12;
	s15 =	sshrl.u32 @!p1 s11, $0x3  }
0x24: {  	s16 =	sand.u32 @!p1 $0x7, s11;
	s15 =	sadd.s32 @!p1 s5, s15;
	s14 =	sshrl.u32 @!p1 s14, $0x2  }
0x25: {  	[tilespmem:s14], [sflag:$0x2] =	stream.linear.gather @!p1 [hbm4b:s15+s16], $0xC8, $0x38;
	[tilespmem:$0xC990] =	vst v63  }
0x26: {  	p1 =	sge.u32 s31, s8  }
.Ltmp2:
0x27: {  	_ = 	snop;
	(pc) =	sbr.rel @p1 .LBB2_7-.Ltmp2, $1  }
0x28: {  	_ =	sdelay $0x3  }
0x29: {  	s14 =	simm.s32 $0x1  }
0x2a: {  	s14 =	simm.s32 @!p0 $0x0  }
0x2b: {  	s15 =	smul.u32 $0x320, s14  }
0x2c: {  	_ =	swait.ge [sflag:s7], $0xC8  }
0x2d: {  	[sflag:s7] =	ssyncset.done $0x0;
	s16 =	sshrl.u32 s15, $0x2  }
0x2e: {  	[sflag:s7] =	ssyncadd.s32 $0xFFFFFF38;
	s15 =	sadd.s32 $0x0, s16  }
0x2f: {  	v0 =	vld.msk [tilespmem:s15+$0x0 ss:$0x1], $0xffff;
	_ =	sdelay $0x4  }
0x30: {  	vm2 =	vgt.s32 v0, $0x0  }
0x31: {  	v0 =	vnsel vm2, $0x0, v0  }
0x32: {  	v0 =	vmin.u32 v0, $0x1387  }
0x33: {  	v0 =	vshll.u32 v0, $0x4  }
0x34: {  	s14 =	smul.u32 $0x19000, s14  }
0x35: {  	s31 =	sand.u32 $0x1, s12  }
0x36: {  	s17 =	smul.u32 $0x320, s31;
	s14 =	sshrl.u32 s14, $0x2  }
0x37: {  	s19 =	smul.u32 $0x19000, s31;
	s14 =	sor.u32 $0x190, s14  }
0x38: {  	[tilespmem:s14], [sflag:$0x1] =	stream.indirect_vreg.gather [hbm:s4], $0x80, v0, vm0, $0x38;
	[tilespmem:$0xC990] =	vst v63  }
0x39: {  	s18 =	sshrl.u32 s17, $0x2;
	s20 =	sadd.s32 $0x10, s16;
	s15 =	sadd.s32 $0x400, s14  }
0x3a: {  	[tilespmem:s15], [sflag:$0x1] =	stream.indirect_vreg.gather [hbm:s4], $0x80, v0, vm1, $0x38;
	[tilespmem:$0xC990] =	vst v63  }
0x3b: {  	s17 =	sshrl.u32 s19, $0x2;
	s19 =	smov.u32 s14;
	v0 =	vld.msk [tilespmem:s20+$0x0 ss:$0x1], $0xffff;
	s20 =	simm.s32 $0x80  }
.LBB2_3:
0x3c: {  	p1 =	sne.s32 s20, $0x2C0;
	_ =	sdelay $0x4  }
0x3d: {  	vm2 =	vgt.s32 v0, $0x0  }
0x3e: {  	v0 =	vnsel vm2, $0x0, v0  }
0x3f: {  	v0 =	vmin.u32 v0, $0x1387  }
0x40: {  	v0 =	vshll.u32 v0, $0x4;
	_ =	sdelay $0x3  }
.Ltmp3:
0x41: {  	s21 =	sshra.s32 s20, $0x2;
	s19 =	sadd.s32 $0x800, s19;
	(pc) =	sbr.rel @p1 .LBB2_3-.Ltmp3, $4  }
0x42: {  	[tilespmem:s19], [sflag:$0x1] =	stream.indirect_vreg.gather [hbm:s4], $0x80, v0, vm0, $0x38;
	[tilespmem:$0xC990] =	vst v63  }
0x43: {  	s21 =	sadd.s32 s21, s16;
	s22 =	sadd.s32 $0x400, s19  }
0x44: {  	[tilespmem:s22], [sflag:$0x1] =	stream.indirect_vreg.gather [hbm:s4], $0x80, v0, vm1, $0x38;
	[tilespmem:$0xC990] =	vst v63  }
0x45: {  	s20 =	sadd.s32 $0x40, s20;
	v0 =	vld.msk [tilespmem:s21+$0x0 ss:$0x1], $0xffff  }
0x46: {  	_ =	sdelay $0x3  }
0x47: {  	vm2 =	vgt.s32 v0, $0x0  }
0x48: {  	v0 =	vnsel vm2, $0x0, v0  }
0x49: {  	v0 =	vmin.u32 v0, $0x1387  }
0x4a: {  	v0 =	vshll.u32 v0, $0x4;
	_ =	sdelay $0x3  }
0x4b: {  	s16 =	sadd.s32 $0x800, s19  }
0x4c: {  	[tilespmem:s16], [sflag:$0x1] =	stream.indirect_vreg.gather [hbm:s4], $0x80, v0, vm0, $0x38;
	[tilespmem:$0xC990] =	vst v63  }
0x4d: {  	s16 =	sadd.s32 $0x400, s16  }
0x4e: {  	[tilespmem:s16], [sflag:$0x1] =	stream.indirect_vreg.gather [hbm:s4], $0x80, v0, vm1, $0x38;
	[tilespmem:$0xC990] =	vst v63  }
0x4f: {  	v0 =	vld.msk [tilespmem:s18+$0xC0 ss:$0x1], $0xff;
	_ =	sdelay $0x4  }
0x50: {  	vm2 =	vgt.s32 v0, $0x0  }
0x51: {  	v0 =	vnsel vm2, $0x0, v0  }
0x52: {  	v0 =	vmin.u32 v0, $0x1387  }
0x53: {  	v0 =	vshll.u32 v0, $0x4;
	_ =	sdelay $0x3  }
0x54: {  	s31 =	sadd.s32 $0x6190, s17  }
0x55: {  	[tilespmem:s31], [sflag:$0x1] =	stream.indirect_vreg.gather [hbm:s4], $0x80, v0, vm0, $0x38;
	[tilespmem:$0xC990] =	vst v63  }
0x56: {  	s13 =	sshll.u32 s13, $0x4;
	_ =	swait.ge [sflag:s6], $0x6400  }
0x57: {  	s13 =	sadd.s32 s13, s9;
	[sflag:s6] =	ssyncset.done $0x0  }
0x58: {  	s17 =	sadd.s32 $0x0, s13;
	s16 =	simm.s32 $0x80;
	[sflag:s6] =	ssyncadd.s32 $0xFFFF9C00  }
.LBB2_5:
0x59: {  	[hbm:s17] =	stream.linear.scatter [tilespmem:s14], [sflag:$0x3], $0x400, $0x38;
	[tilespmem:$0xC990] =	vst v63  }
0x5a: {  	s17 =	smov.u32 s16;
	s14 =	smov.u32 s15;
	p1 =	sne.s32 s16, $0xC00  }
.Ltmp4:
0x5b: {  	s16 =	sadd.s32 $0x80, s16;
	(pc) =	sbr.rel @p1 .LBB2_5-.Ltmp4, $2  }
0x5c: {  	_ =	sdelay $0x2  }
0x5d: {  	s15 =	sadd.s32 $0x400, s15;
	s17 =	sadd.s32 s17, s13  }
.Ltmp5:
0x5e: {  	_ = 	snop;
	(pc) =	sbr.rel .LBB2_6-.Ltmp5, $1  }
0x5f: {  	_ =	sdelay $0x3  }
.LBB2_8:
0x60: {  	_ =	sfence.sel $0x180000  }
0x61: {  	s1 =	simm.s32 $0x2;
	[bflag:$0x0] =	sbarrier.arrive $0xFFFF  }
0x62: {  	s30 =	simm.s32 $0x3;
	[sflag:s1] =	ssyncpa.u1 $0x1  }
0x63: {  	s31 =	simm.s32 $0x1;
	[sflag:s30] =	ssyncpa.u1 $0x1  }
0x64: {  	[sflag:s31] =	ssyncpa.u1 $0x1  }
0x65: {  	p0 =	sne.s32 s0, $0x0;
	_ =	strace $0x90000047  }
0x66: {  	s0 =	sadd.s32 @!p0 $0x100000, s2;
	[bflag:$0x2] =	sbarrier.arrive $0xFFFF  }
0x67: {  	[sflag:s0] =	ssyncadd.tile.s32 @!p0 $0x1;
	_ =	shalt  }
.Lfunc_end2:
_tile_overlayer_lowered:
.L_overlay_start_2:
0x68: {  	(tag) =	ssettag $0x2  }
0x69: {  	s0 =	rddreg [dreg:$0x0];
	s2 =	stileid.u32  }
0x6a: {  	s1 =	rddreg [dreg:$0x1];
	p0 =	sne.s32 s2, $0x0  }
0x6b: {  	s3 =	rddreg [dreg:$0x2];
	[bflag:$0x3] =	sbarrier.arrive $0xFFFF;
	s2 =	simm.s32 @!p0 $0x1C01  }
0x6c: {  	[timem:s3], [sflag:s2] =	dma.local @!p0 [hbm:s0], s1  }
0x6d: {  	s0 =	simm.s32 @!p0 $0x1  }
0x6e: {  	_ =	swait.ge @!p0 [sflag:s0], s1  }
0x6f: {  	s1 =	ssub.s32 @!p0 $0x0, s1;
	[sflag:s0] =	ssyncset.done @!p0 $0x0  }
0x70: {  	[sflag:s0] =	ssyncadd.s32 @!p0 s1  }
0x71: {  	[bflag:$0x3] =	sbarrier.arrive $0xFFFF  }
0x72: {  	_ =	shalt  }

</sc_bundles>
